<compile_context>
chip_gen: v7x
topology: tpu7x:2x2x1
jax: 0.10.2.dev20260603
libtpu: 0.0.44.dev20260713+nightly
codegen_flags: <defaults>
</compile_context>

<pallas_src>
import jax
import jax.numpy as jnp
from jax import lax
from jax.experimental import pallas as pl
from jax.experimental.pallas import tpu as pltpu
from jax.experimental.pallas import tpu_sc as plsc

N = 10000
NPAD = 10112
E = 320000
F = 128
B = 64
K = 16
NCLS = 10
NC = 2
NS = 16
NW = NC * NS
CW = 128
CH = 80
TOTCH = NW * CH
EPAD = TOTCH * CW
RPS = NPAD // NS
RB = 1000
GRID = N // RB

_DOT = dict(preferred_element_type=jnp.float32)


def _mesh():
    return plsc.VectorSubcoreMesh(core_axis_name="c", subcore_axis_name="s",
                                  num_cores=NC, num_subcores=NS)



def _sc_degree(dstp):

    def body(dst_hbm, out_hbm, dst_v, hist_v):
        cid = lax.axis_index("c")
        sid = lax.axis_index("s")
        wid = cid * NS + sid
        pltpu.sync_copy(dst_hbm.at[pl.ds(wid * CH, CH)], dst_v)
        zeros16 = jnp.zeros((16,), jnp.float32)

        def _zero(i, carry):
            hist_v[pl.ds(i * 16, 16)] = zeros16
            return carry

        lax.fori_loop(0, NPAD // 16, _zero, 0)
        ones16 = jnp.ones((16,), jnp.float32)

        def _row(r, carry):
            def _vec(c, carry2):
                idx = dst_v[r, pl.ds(c * 16, 16)]
                plsc.addupdate_scatter(hist_v, [idx], ones16)
                return carry2

            return lax.fori_loop(0, CW // 16, _vec, carry)

        lax.fori_loop(0, CH, _row, 0)
        pltpu.sync_copy(hist_v, out_hbm.at[wid])

    fn = pl.kernel(
        body,
        out_type=jax.ShapeDtypeStruct((NW, NPAD), jnp.float32),
        mesh=_mesh(),
        compiler_params=pltpu.CompilerParams(needs_layout_passes=False),
        scratch_types=[
            pltpu.VMEM((CH, CW), jnp.int32),
            pltpu.VMEM((NPAD,), jnp.float32),
        ],
    )
    return fn(dstp)


def _sc_agg(table, srcp, dstp, zt):

    def body(table_hbm, src_hbm, dst_hbm, zeros_hbm, out_hbm,
             src_v, dst_v, rows0, acc, sem0):
        cid = lax.axis_index("c")
        sid = lax.axis_index("s")
        pltpu.sync_copy(zeros_hbm.at[pl.ds(sid * RPS, RPS)],
                        acc.at[pl.ds(sid * RPS, RPS)])
        wid = cid * NS + sid
        pltpu.sync_copy(src_hbm.at[pl.ds(wid * CH, CH)], src_v)
        pltpu.sync_copy(dst_hbm.at[pl.ds(wid * CH, CH)], dst_v)
        plsc.subcore_barrier()

        def _chunk(j, carry):
            pltpu.async_copy(table_hbm.at[src_v.at[j]], rows0, sem0).wait()
            pltpu.sync_copy(rows0, acc.at[dst_v.at[j]], add=True)
            return carry

        lax.fori_loop(0, CH, _chunk, 0)
        plsc.subcore_barrier()
        pltpu.sync_copy(acc.at[pl.ds(sid * RPS, RPS)],
                        out_hbm.at[cid, pl.ds(sid * RPS, RPS)])

    fn = pl.kernel(
        body,
        out_type=jax.ShapeDtypeStruct((NC, NPAD, F), jnp.float32),
        mesh=_mesh(),
        compiler_params=pltpu.CompilerParams(needs_layout_passes=False),
        scratch_types=[
            pltpu.VMEM((CH, CW), jnp.int32),
            pltpu.VMEM((CH, CW), jnp.int32),
            pltpu.VMEM((CW, F), jnp.float32),
            pltpu.VMEM_SHARED((NPAD, F), jnp.float32),
            pltpu.SemaphoreType.DMA,
        ],
    )
    return fn(table, srcp, dstp, zt)



def _dis_from_hist(hist_blk):
    deg = jnp.sum(hist_blk, axis=1) + 1.0
    return lax.rsqrt(deg)


def _t1_body(x_ref, w1_ref, hist_ref, out_ref):
    dis = _dis_from_hist(hist_ref[...])
    g = lax.dot_general(x_ref[...], w1_ref[...], (((1,), (0,)), ((), ())),
                        **_DOT)
    out_ref[...] = g * dis[:, None]


def _t1(x, W1, hist):
    return pl.pallas_call(
        _t1_body,
        grid=(GRID,),
        in_specs=[
            pl.BlockSpec((RB, F), lambda i: (i, 0)),
            pl.BlockSpec((F, F), lambda i: (0, 0)),
            pl.BlockSpec((RB, NW), lambda i: (i, 0)),
        ],
        out_specs=pl.BlockSpec((RB, F), lambda i: (i, 0)),
        out_shape=jax.ShapeDtypeStruct((NPAD, F), jnp.float32),
    )(x, W1, hist)


def _t2_body(part_ref, tab_ref, hist_ref, b1_ref, w2_ref, out_ref):
    dis = _dis_from_hist(hist_ref[...])
    t = part_ref[0] + part_ref[1] + tab_ref[...]
    z = jnp.maximum(t * dis[:, None] + b1_ref[...], 0.0)
    g = lax.dot_general(z, w2_ref[...], (((1,), (0,)), ((), ())), **_DOT)
    out_ref[...] = g * dis[:, None]


def _t2(part, tab, hist, b1r, W2):
    return pl.pallas_call(
        _t2_body,
        grid=(GRID,),
        in_specs=[
            pl.BlockSpec((NC, RB, F), lambda i: (0, i, 0)),
            pl.BlockSpec((RB, F), lambda i: (i, 0)),
            pl.BlockSpec((RB, NW), lambda i: (i, 0)),
            pl.BlockSpec((1, F), lambda i: (0, 0)),
            pl.BlockSpec((F, F), lambda i: (0, 0)),
        ],
        out_specs=pl.BlockSpec((RB, F), lambda i: (i, 0)),
        out_shape=jax.ShapeDtypeStruct((NPAD, F), jnp.float32),
    )(part, tab, hist, b1r, W2)


def _t3_body(part_ref, tab_ref, hist_ref, b2_ref, wm_ref, bm_ref, batch_ref,
             wl_ref, bl_ref, out_ref, acc_ref):
    i = pl.program_id(0)
    dis = _dis_from_hist(hist_ref[...])
    t = part_ref[0] + part_ref[1] + tab_ref[...]
    h = jnp.maximum(t * dis[:, None] + b2_ref[...], 0.0)

    lm = lax.dot_general(h, wm_ref[...], (((1,), (0,)), ((), ())), **_DOT)
    lm = lm + bm_ref[...]
    m = jnp.max(lm, axis=-1, keepdims=True)
    ex = jnp.exp(lm - m)
    s = ex / jnp.sum(ex, axis=-1, keepdims=True)

    bids = batch_ref[...][0, 0]
    ggrp = lax.broadcasted_iota(jnp.int32, (RB, B * K), 1) // K
    s_tiled = jnp.concatenate([s] * B, axis=1)
    q = jnp.where(bids[:, None] == ggrp, s_tiled, 0.0)
    contrib = lax.dot_general(q, h, (((0,), (0,)), ((), ())),
                              preferred_element_type=jnp.float32)

    @pl.when(i == 0)
    def _():
        acc_ref[...] = contrib

    @pl.when(i > 0)
    def _():
        acc_ref[...] += contrib

    @pl.when(i == pl.num_programs(0) - 1)
    def _():
        a = acc_ref[...]
        scale = 1.0507009873554805
        alpha = 1.6732632423543772
        selu = scale * jnp.where(a > 0, a, alpha * (jnp.exp(a) - 1.0))
        bidx = lax.broadcasted_iota(jnp.int32, (B, B * K), 0)
        jgrp = lax.broadcasted_iota(jnp.int32, (B, B * K), 1) // K
        amat = jnp.where(bidx == jgrp, 1.0 / K, 0.0)
        pooled = lax.dot_general(amat, selu, (((1,), (0,)), ((), ())), **_DOT)
        logits = lax.dot_general(pooled, wl_ref[...],
                                 (((1,), (0,)), ((), ())), **_DOT)
        out_ref[...] = logits + bl_ref[...]


def _t3(part, tab, hist, b2r, Wm, bmr, batch3, Wl, blr):
    return pl.pallas_call(
        _t3_body,
        grid=(GRID,),
        in_specs=[
            pl.BlockSpec((NC, RB, F), lambda i: (0, i, 0)),
            pl.BlockSpec((RB, F), lambda i: (i, 0)),
            pl.BlockSpec((RB, NW), lambda i: (i, 0)),
            pl.BlockSpec((1, F), lambda i: (0, 0)),
            pl.BlockSpec((F, K), lambda i: (0, 0)),
            pl.BlockSpec((1, K), lambda i: (0, 0)),
            pl.BlockSpec((1, 1, RB), lambda i: (i, 0, 0)),
            pl.BlockSpec((F, NCLS), lambda i: (0, 0)),
            pl.BlockSpec((1, NCLS), lambda i: (0, 0)),
        ],
        out_specs=pl.BlockSpec((B, NCLS), lambda i: (0, 0)),
        out_shape=jax.ShapeDtypeStruct((B, NCLS), jnp.float32),
        scratch_shapes=[pltpu.VMEM((B * K, F), jnp.float32)],
    )(part, tab, hist, b2r, Wm, bmr, batch3, Wl, blr)



def kernel(x, edge_index, batch, W1, b1, W2, b2, Wm, bm, Wl, bl):
    x = x.astype(jnp.float32)
    src = edge_index[0].astype(jnp.int32)
    dst = edge_index[1].astype(jnp.int32)
    pad = EPAD - E
    srcp = jnp.concatenate([src, jnp.zeros((pad,), jnp.int32)]).reshape(
        TOTCH, CW)
    dstp = jnp.concatenate([dst, jnp.full((pad,), N, jnp.int32)]).reshape(
        TOTCH, CW)
    zt = jnp.zeros((NPAD, F), jnp.float32)
    batch3 = batch.astype(jnp.int32).reshape(GRID, 1, RB)
    b1r = b1.reshape(1, F)
    b2r = b2.reshape(1, F)
    bmr = bm.reshape(1, K)
    blr = bl.reshape(1, NCLS)

    hist = _sc_degree(dstp).T
    h1p = _t1(x, W1, hist)
    part1 = _sc_agg(h1p, srcp, dstp, zt)
    h2p = _t2(part1, h1p, hist, b1r, W2)
    part2 = _sc_agg(h2p, srcp, dstp, zt)
    return _t3(part2, h2p, hist, b2r, Wm, bmr, batch3, Wl, blr)

# --- scband reference (transcript-rebuilt; emitter-appended) ---
"""Pipeline reference for scband-gnndmo-n-807453851816 (READ-ONLY COPY).

The authoritative reference and input builder live on the scoring server;
editing this copy changes nothing except your own understanding.
"""

import jax, jax.numpy as jnp
import numpy as np

N_NODES = 10000
N_EDGES = 320000
N_GRAPHS = 64
IN_FEATS = 128
HIDDEN = 128
NUM_CLASSES = 10
K = 16
EPS = 1e-15


def setup_inputs(seed: int = 0):
    key = jax.random.key(seed)
    ks = jax.random.split(key, 8)
    x = jax.random.normal(ks[0], (N_NODES, IN_FEATS), dtype=jnp.float32)
    edge_index = jax.random.randint(ks[1], (2, N_EDGES), 0, N_NODES)
    batch = jnp.sort(jax.random.randint(ks[2], (N_NODES,), 0, N_GRAPHS))
    W1 = jax.random.normal(ks[3], (IN_FEATS, HIDDEN), dtype=jnp.float32) / np.sqrt(IN_FEATS)
    b1 = jnp.zeros((HIDDEN,), jnp.float32)
    W2 = jax.random.normal(ks[4], (HIDDEN, HIDDEN), dtype=jnp.float32) / np.sqrt(HIDDEN)
    b2 = jnp.zeros((HIDDEN,), jnp.float32)
    Wm = jax.random.normal(ks[5], (HIDDEN, K), dtype=jnp.float32) / np.sqrt(HIDDEN)
    bm = jnp.zeros((K,), jnp.float32)
    Wl = jax.random.normal(ks[6], (HIDDEN, NUM_CLASSES), dtype=jnp.float32) / np.sqrt(HIDDEN)
    bl = jnp.zeros((NUM_CLASSES,), jnp.float32)
    return {"x": x, "edge_index": edge_index, "batch": batch, "W1": W1, "b1": b1,
            "W2": W2, "b2": b2, "Wm": Wm, "bm": bm, "Wl": Wl, "bl": bl}


def _gcn(x, src, dst, W, b, n):
    h = x @ W
    deg = jnp.zeros((n,), h.dtype).at[dst].add(1.0)
    dis = jnp.where(deg > 0, 1.0 / jnp.sqrt(deg), 0.0)
    norm = dis[src] * dis[dst]
    out = jnp.zeros_like(h).at[dst].add(norm[:, None] * h[src])
    return out + b


def reference(x, edge_index, batch, W1, b1, W2, b2, Wm, bm, Wl, bl):
    n = x.shape[0]
    loop = jnp.arange(n)
    src = jnp.concatenate([edge_index[0], loop])
    dst = jnp.concatenate([edge_index[1], loop])
    h = jax.nn.relu(_gcn(x, src, dst, W1, b1, n))
    h = jax.nn.relu(_gcn(h, src, dst, W2, b2, n))
    # to_dense_batch
    B = N_GRAPHS
    counts = jnp.bincount(batch, length=B)
    Nmax = n
    cum = jnp.concatenate([jnp.zeros((1,), counts.dtype), jnp.cumsum(counts)[:-1]])
    pos = jnp.arange(n) - cum[batch]
    X = jnp.zeros((B, Nmax, h.shape[1]), h.dtype).at[batch, pos].set(h)
    es, ed = edge_index[0], edge_index[1]
    g = batch[es]
    # DMoNPooling (mask=None -> all-ones mask)
    s = jax.nn.softmax(X @ Wm + bm, axis=-1)
    C = s.shape[-1]
    mask = jnp.ones((B, Nmax, 1), X.dtype)
    Xm = X * mask
    sm = s * mask
    out = jax.nn.selu(jnp.einsum('bnc,bnd->bcd', sm, Xm))
    sn = s[batch, pos]
    out_adj = jnp.zeros((B, C, C), h.dtype).at[g].add(sn[es][:, :, None] * sn[ed][:, None, :])
    deg_node = jnp.zeros((n,), h.dtype).at[es].add(1.0)
    m = jnp.zeros((B,), h.dtype).at[batch].add(deg_node) / 2.0
    ca = jnp.zeros((B, C), h.dtype).at[batch].add(sn * deg_node[:, None])
    cb = ca
    normalizer = (ca[:, :, None] * cb[:, None, :]) / 2.0 / m[:, None, None]
    decompose = out_adj - normalizer
    spectral_loss = jnp.mean(-jnp.trace(decompose, axis1=1, axis2=2) / 2.0 / m)
    ss = jnp.einsum('bnc,bnd->bcd', sm, sm)
    i_s = jnp.eye(C, dtype=ss.dtype)
    ss_norm = jnp.linalg.norm(ss, axis=(-2, -1), keepdims=True)
    ortho_loss = jnp.mean(jnp.linalg.norm(ss / ss_norm - i_s / jnp.linalg.norm(i_s), axis=(-2, -1)))
    cluster_size = sm.sum(axis=1)
    cluster_loss = jnp.mean(jnp.linalg.norm(cluster_size, axis=1) / mask.sum(axis=(1, 2)) * jnp.linalg.norm(i_s) - 1.0)
    ind = jnp.arange(C)
    out_adj = out_adj.at[:, ind, ind].set(0.0)
    d = jnp.sqrt(out_adj.sum(axis=2))[:, None, :] + EPS
    out_adj = (out_adj / d) / jnp.transpose(d, (0, 2, 1))
    _ = (spectral_loss, ortho_loss, cluster_loss, out_adj)  # computed as in module, unused by head
    pooled = out.mean(axis=1)
    logits = pooled @ Wl + bl
    return logits

if __name__ == "__main__":
    import jax
    _d = setup_inputs()
    print(jax.jit(kernel)(*tuple(_d.values())))

</pallas_src>

<mosaic_0001>
#map = affine_map<(d0, d1) -> (0, 0)>
module attributes {stable_mosaic.version = 14 : i64} {
  func.func @body(%arg0: i32, %arg1: i32, %arg2: memref<2560x128xi32, #tpu.memory_space<hbm>>, %arg3: memref<32x10112xf32, #tpu.memory_space<hbm>>, %arg4: memref<80x128xi32, #tpu.memory_space<vmem>>, %arg5: memref<10112xf32, #tpu.memory_space<vmem>>) attributes {dimension_semantics = [#tpu.dimension_semantics<core_parallel>, #tpu.dimension_semantics<subcore_parallel>], iteration_bounds = array<i64: 2, 16>, scalar_prefetch = 0 : i64, scratch_operands = 2 : i64, tpu.core_type = #tpu.core_type<sc_vector_subcore>, window_params = [{transform_indices = #map}, {transform_indices = #map}]} {
    %mul3A = arith.constant 16 : i32
    %mul3A_0 = arith.muli %arg0, %mul3A : i32
    %add3A = arith.addi %mul3A_0, %arg1 : i32
    %mul3A_1 = arith.constant 80 : i32
    %mul3A_2 = arith.muli %add3A, %mul3A_1 : i32
    "tpu.region"() ({
      %run_scoped3A = tpu.sem_alloc : memref<!tpu.dma_semaphore, #tpu.memory_space<semaphore_mem>>
      %dma_start3A = arith.constant 0 : i32
      %dma_start3A_17 = tpu.memref_slice %arg2[%mul3A_2, %dma_start3A] : memref<2560x128xi32, #tpu.memory_space<hbm>> -> memref<80x128xi32, #tpu.memory_space<hbm>>
      %dma_start3A_18 = arith.constant 0 : i32
      %dma_start3A_19 = tpu.memref_slice %arg2[%mul3A_2, %dma_start3A_18] : memref<2560x128xi32, #tpu.memory_space<hbm>> -> memref<80x128xi32, #tpu.memory_space<hbm>>
      tpu.enqueue_dma source(%dma_start3A_19 : memref<80x128xi32, #tpu.memory_space<hbm>>) target(%arg4 : memref<80x128xi32, #tpu.memory_space<vmem>>) target_semaphore(%run_scoped3A : memref<!tpu.dma_semaphore, #tpu.memory_space<semaphore_mem>>)
      %dma_wait3A = arith.constant 0 : i32
      %dma_wait3A_20 = tpu.memref_slice %arg2[%mul3A_2, %dma_wait3A] : memref<2560x128xi32, #tpu.memory_space<hbm>> -> memref<80x128xi32, #tpu.memory_space<hbm>>
      %dma_wait3A_21 = arith.constant 0 : i32
      %dma_wait3A_22 = tpu.memref_slice %arg2[%mul3A_2, %dma_wait3A_21] : memref<2560x128xi32, #tpu.memory_space<hbm>> -> memref<80x128xi32, #tpu.memory_space<hbm>>
      tpu.wait_dma2 semaphore(%run_scoped3A : memref<!tpu.dma_semaphore, #tpu.memory_space<semaphore_mem>>) src(%dma_wait3A_22 : memref<80x128xi32, #tpu.memory_space<hbm>>) dst(%arg4 : memref<80x128xi32, #tpu.memory_space<vmem>>)
      tpu.yield
    }) : () -> ()
    %broadcast_in_dim3A = arith.constant 0.000000e+00 : f32
    %broadcast_in_dim3A_3 = vector.broadcast %broadcast_in_dim3A : f32 to vector<16xf32>
    %scan3A = arith.constant 0 : i32
    %scan3A_4 = arith.constant 0 : i32
    %scan3A_5 = arith.constant 632 : i32
    %scan3A_6 = arith.addi %scan3A_4, %scan3A_5 : i32
    %scan3A_7 = arith.constant 1 : i32
    scf.for %scan3A_17 = %scan3A_4 to %scan3A_6 step %scan3A_7  : i32 {
      %mul3A_18 = arith.constant 16 : i32
      %mul3A_19 = arith.muli %scan3A_17, %mul3A_18 : i32
      %swap3A = arith.index_cast %mul3A_19 : i32 to index
      %swap3A_20 = tpu.vector_load %arg5[%swap3A] {strides = array<i32>} : memref<10112xf32, #tpu.memory_space<vmem>>, vector<16xf32>,
      tpu.vector_store %arg5[%swap3A], %broadcast_in_dim3A_3 {strides = array<i32>} : memref<10112xf32, #tpu.memory_space<vmem>>, vector<16xf32>,
    }
    %scan3A_8 = arith.constant 632 : i32
    %broadcast_in_dim3A_9 = arith.constant 1.000000e+00 : f32
    %broadcast_in_dim3A_10 = vector.broadcast %broadcast_in_dim3A_9 : f32 to vector<16xf32>
    %scan3A_11 = arith.constant 0 : i32
    %scan3A_12 = arith.constant 0 : i32
    %scan3A_13 = arith.constant 80 : i32
    %scan3A_14 = arith.addi %scan3A_12, %scan3A_13 : i32
    %scan3A_15 = arith.constant 1 : i32
    scf.for %scan3A_17 = %scan3A_12 to %scan3A_14 step %scan3A_15  : i32 {
      %scan3A_18 = arith.constant 0 : i32
      %scan3A_19 = arith.constant 8 : i32
      %scan3A_20 = arith.addi %scan3A_18, %scan3A_19 : i32
      %scan3A_21 = arith.constant 1 : i32
      scf.for %scan3A_23 = %scan3A_18 to %scan3A_20 step %scan3A_21  : i32 {
        %mul3A_24 = arith.constant 16 : i32
        %mul3A_25 = arith.muli %scan3A_23, %mul3A_24 : i32
        %get3A = arith.index_cast %scan3A_17 : i32 to index
        %get3A_26 = arith.index_cast %mul3A_25 : i32 to index
        %get3A_27 = tpu.vector_load %arg4[%get3A, %get3A_26] {strides = array<i32>} : memref<80x128xi32, #tpu.memory_space<vmem>>, vector<16xi32>,
        tpu.vector_store_idx %arg5[%get3A_27], %broadcast_in_dim3A_10 {add = true} : memref<10112xf32, #tpu.memory_space<vmem>>[vector<16xi32>], vector<16xf32>,
      }
      %scan3A_22 = arith.constant 8 : i32
    }
    %scan3A_16 = arith.constant 80 : i32
    "tpu.region"() ({
      %run_scoped3A = tpu.sem_alloc : memref<!tpu.dma_semaphore, #tpu.memory_space<semaphore_mem>>
      %dma_start3A = arith.constant 0 : i32
      %dma_start3A_17 = tpu.memref_slice %arg3[%add3A, %dma_start3A] : memref<32x10112xf32, #tpu.memory_space<hbm>> -> memref<1x10112xf32, #tpu.memory_space<hbm>>
      %dma_start3A_18 = tpu.memref_squeeze %dma_start3A_17 : memref<1x10112xf32, #tpu.memory_space<hbm>> -> memref<10112xf32, #tpu.memory_space<hbm>>
      %dma_start3A_19 = arith.constant 0 : i32
      %dma_start3A_20 = tpu.memref_slice %arg3[%add3A, %dma_start3A_19] : memref<32x10112xf32, #tpu.memory_space<hbm>> -> memref<1x10112xf32, #tpu.memory_space<hbm>>
      %dma_start3A_21 = tpu.memref_squeeze %dma_start3A_20 : memref<1x10112xf32, #tpu.memory_space<hbm>> -> memref<10112xf32, #tpu.memory_space<hbm>>
      tpu.enqueue_dma source(%arg5 : memref<10112xf32, #tpu.memory_space<vmem>>) target(%dma_start3A_21 : memref<10112xf32, #tpu.memory_space<hbm>>) target_semaphore(%run_scoped3A : memref<!tpu.dma_semaphore, #tpu.memory_space<semaphore_mem>>)
      %dma_wait3A = arith.constant 0 : i32
      %dma_wait3A_22 = tpu.memref_slice %arg3[%add3A, %dma_wait3A] : memref<32x10112xf32, #tpu.memory_space<hbm>> -> memref<1x10112xf32, #tpu.memory_space<hbm>>
      %dma_wait3A_23 = tpu.memref_squeeze %dma_wait3A_22 : memref<1x10112xf32, #tpu.memory_space<hbm>> -> memref<10112xf32, #tpu.memory_space<hbm>>
      %dma_wait3A_24 = arith.constant 0 : i32
      %dma_wait3A_25 = tpu.memref_slice %arg3[%add3A, %dma_wait3A_24] : memref<32x10112xf32, #tpu.memory_space<hbm>> -> memref<1x10112xf32, #tpu.memory_space<hbm>>
      %dma_wait3A_26 = tpu.memref_squeeze %dma_wait3A_25 : memref<1x10112xf32, #tpu.memory_space<hbm>> -> memref<10112xf32, #tpu.memory_space<hbm>>
      tpu.wait_dma2 semaphore(%run_scoped3A : memref<!tpu.dma_semaphore, #tpu.memory_space<semaphore_mem>>) src(%arg5 : memref<10112xf32, #tpu.memory_space<vmem>>) dst(%dma_wait3A_26 : memref<10112xf32, #tpu.memory_space<hbm>>)
      tpu.yield
    }) : () -> ()
    return
  }
}

#map = affine_map<(d0, d1) -> (0, 0)>
#map1 = affine_map<(d0, d1) -> (0, 0, 0)>
module attributes {stable_mosaic.version = 14 : i64} {
  func.func @body(%arg0: i32, %arg1: i32, %arg2: memref<10112x128xf32, #tpu.memory_space<hbm>>, %arg3: memref<2560x128xi32, #tpu.memory_space<hbm>>, %arg4: memref<2560x128xi32, #tpu.memory_space<hbm>>, %arg5: memref<10112x128xf32, #tpu.memory_space<hbm>>, %arg6: memref<2x10112x128xf32, #tpu.memory_space<hbm>>, %arg7: memref<80x128xi32, #tpu.memory_space<vmem>>, %arg8: memref<80x128xi32, #tpu.memory_space<vmem>>, %arg9: memref<128x128xf32, #tpu.memory_space<vmem>>, %arg10: memref<10112x128xf32, #tpu.memory_space<vmem_shared>>, %arg11: memref<!tpu.dma_semaphore, #tpu.memory_space<semaphore_mem>>) attributes {dimension_semantics = [#tpu.dimension_semantics<core_parallel>, #tpu.dimension_semantics<subcore_parallel>], iteration_bounds = array<i64: 2, 16>, scalar_prefetch = 0 : i64, scratch_operands = 5 : i64, tpu.core_type = #tpu.core_type<sc_vector_subcore>, window_params = [{transform_indices = #map}, {transform_indices = #map}, {transform_indices = #map}, {transform_indices = #map}, {transform_indices = #map1}]} {
    %mul3A = arith.constant 632 : i32
    %mul3A_0 = arith.muli %arg1, %mul3A : i32
    %mul3A_1 = arith.constant 632 : i32
    %mul3A_2 = arith.muli %arg1, %mul3A_1 : i32
    "tpu.region"() ({
      %run_scoped3A = tpu.sem_alloc : memref<!tpu.dma_semaphore, #tpu.memory_space<semaphore_mem>>
      %dma_start3A = arith.constant 0 : i32
      %dma_start3A_19 = tpu.memref_slice %arg10[%mul3A_2, %dma_start3A] : memref<10112x128xf32, #tpu.memory_space<vmem_shared>> -> memref<632x128xf32, #tpu.memory_space<vmem_shared>>
      %dma_start3A_20 = arith.constant 0 : i32
      %dma_start3A_21 = tpu.memref_slice %arg5[%mul3A_0, %dma_start3A_20] : memref<10112x128xf32, #tpu.memory_space<hbm>> -> memref<632x128xf32, #tpu.memory_space<hbm>>
      tpu.enqueue_dma source(%dma_start3A_21 : memref<632x128xf32, #tpu.memory_space<hbm>>) target(%dma_start3A_19 : memref<632x128xf32, #tpu.memory_space<vmem_shared>>) target_semaphore(%run_scoped3A : memref<!tpu.dma_semaphore, #tpu.memory_space<semaphore_mem>>)
      %dma_wait3A = arith.constant 0 : i32
      %dma_wait3A_22 = tpu.memref_slice %arg10[%mul3A_2, %dma_wait3A] : memref<10112x128xf32, #tpu.memory_space<vmem_shared>> -> memref<632x128xf32, #tpu.memory_space<vmem_shared>>
      %dma_wait3A_23 = arith.constant 0 : i32
      %dma_wait3A_24 = tpu.memref_slice %arg5[%mul3A_0, %dma_wait3A_23] : memref<10112x128xf32, #tpu.memory_space<hbm>> -> memref<632x128xf32, #tpu.memory_space<hbm>>
      tpu.wait_dma2 semaphore(%run_scoped3A : memref<!tpu.dma_semaphore, #tpu.memory_space<semaphore_mem>>) src(%dma_wait3A_24 : memref<632x128xf32, #tpu.memory_space<hbm>>) dst(%dma_wait3A_22 : memref<632x128xf32, #tpu.memory_space<vmem_shared>>)
      tpu.yield
    }) : () -> ()
    %mul3A_3 = arith.constant 16 : i32
    %mul3A_4 = arith.muli %arg0, %mul3A_3 : i32
    %add3A = arith.addi %mul3A_4, %arg1 : i32
    %mul3A_5 = arith.constant 80 : i32
    %mul3A_6 = arith.muli %add3A, %mul3A_5 : i32
    "tpu.region"() ({
      %run_scoped3A = tpu.sem_alloc : memref<!tpu.dma_semaphore, #tpu.memory_space<semaphore_mem>>
      %dma_start3A = arith.constant 0 : i32
      %dma_start3A_19 = tpu.memref_slice %arg3[%mul3A_6, %dma_start3A] : memref<2560x128xi32, #tpu.memory_space<hbm>> -> memref<80x128xi32, #tpu.memory_space<hbm>>
      %dma_start3A_20 = arith.constant 0 : i32
      %dma_start3A_21 = tpu.memref_slice %arg3[%mul3A_6, %dma_start3A_20] : memref<2560x128xi32, #tpu.memory_space<hbm>> -> memref<80x128xi32, #tpu.memory_space<hbm>>
      tpu.enqueue_dma source(%dma_start3A_21 : memref<80x128xi32, #tpu.memory_space<hbm>>) target(%arg7 : memref<80x128xi32, #tpu.memory_space<vmem>>) target_semaphore(%run_scoped3A : memref<!tpu.dma_semaphore, #tpu.memory_space<semaphore_mem>>)
      %dma_wait3A = arith.constant 0 : i32
      %dma_wait3A_22 = tpu.memref_slice %arg3[%mul3A_6, %dma_wait3A] : memref<2560x128xi32, #tpu.memory_space<hbm>> -> memref<80x128xi32, #tpu.memory_space<hbm>>
      %dma_wait3A_23 = arith.constant 0 : i32
      %dma_wait3A_24 = tpu.memref_slice %arg3[%mul3A_6, %dma_wait3A_23] : memref<2560x128xi32, #tpu.memory_space<hbm>> -> memref<80x128xi32, #tpu.memory_space<hbm>>
      tpu.wait_dma2 semaphore(%run_scoped3A : memref<!tpu.dma_semaphore, #tpu.memory_space<semaphore_mem>>) src(%dma_wait3A_24 : memref<80x128xi32, #tpu.memory_space<hbm>>) dst(%arg7 : memref<80x128xi32, #tpu.memory_space<vmem>>)
      tpu.yield
    }) : () -> ()
    %mul3A_7 = arith.constant 80 : i32
    %mul3A_8 = arith.muli %add3A, %mul3A_7 : i32
    "tpu.region"() ({
      %run_scoped3A = tpu.sem_alloc : memref<!tpu.dma_semaphore, #tpu.memory_space<semaphore_mem>>
      %dma_start3A = arith.constant 0 : i32
      %dma_start3A_19 = tpu.memref_slice %arg4[%mul3A_8, %dma_start3A] : memref<2560x128xi32, #tpu.memory_space<hbm>> -> memref<80x128xi32, #tpu.memory_space<hbm>>
      %dma_start3A_20 = arith.constant 0 : i32
      %dma_start3A_21 = tpu.memref_slice %arg4[%mul3A_8, %dma_start3A_20] : memref<2560x128xi32, #tpu.memory_space<hbm>> -> memref<80x128xi32, #tpu.memory_space<hbm>>
      tpu.enqueue_dma source(%dma_start3A_21 : memref<80x128xi32, #tpu.memory_space<hbm>>) target(%arg8 : memref<80x128xi32, #tpu.memory_space<vmem>>) target_semaphore(%run_scoped3A : memref<!tpu.dma_semaphore, #tpu.memory_space<semaphore_mem>>)
      %dma_wait3A = arith.constant 0 : i32
      %dma_wait3A_22 = tpu.memref_slice %arg4[%mul3A_8, %dma_wait3A] : memref<2560x128xi32, #tpu.memory_space<hbm>> -> memref<80x128xi32, #tpu.memory_space<hbm>>
      %dma_wait3A_23 = arith.constant 0 : i32
      %dma_wait3A_24 = tpu.memref_slice %arg4[%mul3A_8, %dma_wait3A_23] : memref<2560x128xi32, #tpu.memory_space<hbm>> -> memref<80x128xi32, #tpu.memory_space<hbm>>
      tpu.wait_dma2 semaphore(%run_scoped3A : memref<!tpu.dma_semaphore, #tpu.memory_space<semaphore_mem>>) src(%dma_wait3A_24 : memref<80x128xi32, #tpu.memory_space<hbm>>) dst(%arg8 : memref<80x128xi32, #tpu.memory_space<vmem>>)
      tpu.yield
    }) : () -> ()
    %barrier3A = arith.constant 0 : index
    tpu.barrier barrier_id(%barrier3A)
    %scan3A = arith.constant 0 : i32
    %scan3A_9 = arith.constant 0 : i32
    %scan3A_10 = arith.constant 80 : i32
    %scan3A_11 = arith.addi %scan3A_9, %scan3A_10 : i32
    %scan3A_12 = arith.constant 1 : i32
    scf.for %scan3A_19 = %scan3A_9 to %scan3A_11 step %scan3A_12  : i32 {
      %dma_start3A = arith.constant 0 : i32
      %dma_start3A_20 = tpu.memref_slice %arg7[%scan3A_19, %dma_start3A] : memref<80x128xi32, #tpu.memory_space<vmem>> -> memref<1x128xi32, #tpu.memory_space<vmem>>
      %dma_start3A_21 = tpu.memref_squeeze %dma_start3A_20 : memref<1x128xi32, #tpu.memory_space<vmem>> -> memref<128xi32, #tpu.memory_space<vmem>>
      %dma_start3A_22 = arith.constant 0 : i32
      %dma_start3A_23 = arith.constant 0 : i32
      %dma_start3A_24 = tpu.memref_slice %arg2[%dma_start3A_22, %dma_start3A_23] : memref<10112x128xf32, #tpu.memory_space<hbm>> -> memref<10112x128xf32, #tpu.memory_space<hbm>>
      tpu.enqueue_indirect_dma source(%dma_start3A_24 : memref<10112x128xf32, #tpu.memory_space<hbm>>) target(%arg9 : memref<128x128xf32, #tpu.memory_space<vmem>>) offsets(%dma_start3A_21 : memref<128xi32, #tpu.memory_space<vmem>>) semaphore(%arg11 : memref<!tpu.dma_semaphore, #tpu.memory_space<semaphore_mem>>)
      %dma_wait3A = arith.constant 0 : i32
      %dma_wait3A_25 = tpu.memref_slice %arg7[%scan3A_19, %dma_wait3A] : memref<80x128xi32, #tpu.memory_space<vmem>> -> memref<1x128xi32, #tpu.memory_space<vmem>>
      %dma_wait3A_26 = tpu.memref_squeeze %dma_wait3A_25 : memref<1x128xi32, #tpu.memory_space<vmem>> -> memref<128xi32, #tpu.memory_space<vmem>>
      %dma_wait3A_27 = arith.constant 0 : i32
      %dma_wait3A_28 = arith.constant 0 : i32
      %dma_wait3A_29 = tpu.memref_slice %arg2[%dma_wait3A_27, %dma_wait3A_28] : memref<10112x128xf32, #tpu.memory_space<hbm>> -> memref<10112x128xf32, #tpu.memory_space<hbm>>
      tpu.wait_indirect_dma semaphore(%arg11 : memref<!tpu.dma_semaphore, #tpu.memory_space<semaphore_mem>>) src(%dma_wait3A_29 : memref<10112x128xf32, #tpu.memory_space<hbm>>) dst(%arg9 : memref<128x128xf32, #tpu.memory_space<vmem>>)
      "tpu.region"() ({
        %run_scoped3A = tpu.sem_alloc : memref<!tpu.dma_semaphore, #tpu.memory_space<semaphore_mem>>
        %dma_start3A_30 = arith.constant 0 : i32
        %dma_start3A_31 = tpu.memref_slice %arg8[%scan3A_19, %dma_start3A_30] : memref<80x128xi32, #tpu.memory_space<vmem>> -> memref<1x128xi32, #tpu.memory_space<vmem>>
        %dma_start3A_32 = tpu.memref_squeeze %dma_start3A_31 : memref<1x128xi32, #tpu.memory_space<vmem>> -> memref<128xi32, #tpu.memory_space<vmem>>
        %dma_start3A_33 = arith.constant 0 : i32
        %dma_start3A_34 = arith.constant 0 : i32
        %dma_start3A_35 = tpu.memref_slice %arg10[%dma_start3A_33, %dma_start3A_34] : memref<10112x128xf32, #tpu.memory_space<vmem_shared>> -> memref<10112x128xf32, #tpu.memory_space<vmem_shared>>
        tpu.enqueue_indirect_dma source(%arg9 : memref<128x128xf32, #tpu.memory_space<vmem>>) target(%dma_start3A_35 : memref<10112x128xf32, #tpu.memory_space<vmem_shared>>) offsets(%dma_start3A_32 : memref<128xi32, #tpu.memory_space<vmem>>) semaphore(%run_scoped3A : memref<!tpu.dma_semaphore, #tpu.memory_space<semaphore_mem>>) {add = true}
        %dma_wait3A_36 = arith.constant 0 : i32
        %dma_wait3A_37 = tpu.memref_slice %arg8[%scan3A_19, %dma_wait3A_36] : memref<80x128xi32, #tpu.memory_space<vmem>> -> memref<1x128xi32, #tpu.memory_space<vmem>>
        %dma_wait3A_38 = tpu.memref_squeeze %dma_wait3A_37 : memref<1x128xi32, #tpu.memory_space<vmem>> -> memref<128xi32, #tpu.memory_space<vmem>>
        %dma_wait3A_39 = arith.constant 0 : i32
        %dma_wait3A_40 = arith.constant 0 : i32
        %dma_wait3A_41 = tpu.memref_slice %arg10[%dma_wait3A_39, %dma_wait3A_40] : memref<10112x128xf32, #tpu.memory_space<vmem_shared>> -> memref<10112x128xf32, #tpu.memory_space<vmem_shared>>
        tpu.wait_indirect_dma semaphore(%run_scoped3A : memref<!tpu.dma_semaphore, #tpu.memory_space<semaphore_mem>>) src(%arg9 : memref<128x128xf32, #tpu.memory_space<vmem>>) dst(%dma_wait3A_41 : memref<10112x128xf32, #tpu.memory_space<vmem_shared>>)
        tpu.yield
      }) : () -> ()
    }
    %scan3A_13 = arith.constant 80 : i32
    %barrier3A_14 = arith.constant 0 : index
    tpu.barrier barrier_id(%barrier3A_14)
    %mul3A_15 = arith.constant 632 : i32
    %mul3A_16 = arith.muli %arg1, %mul3A_15 : i32
    %mul3A_17 = arith.constant 632 : i32
    %mul3A_18 = arith.muli %arg1, %mul3A_17 : i32
    "tpu.region"() ({
      %run_scoped3A = tpu.sem_alloc : memref<!tpu.dma_semaphore, #tpu.memory_space<semaphore_mem>>
      %dma_start3A = arith.constant 0 : i32
      %dma_start3A_19 = tpu.memref_slice %arg6[%arg0, %mul3A_18, %dma_start3A] : memref<2x10112x128xf32, #tpu.memory_space<hbm>> -> memref<1x632x128xf32, #tpu.memory_space<hbm>>
      %dma_start3A_20 = tpu.memref_squeeze %dma_start3A_19 : memref<1x632x128xf32, #tpu.memory_space<hbm>> -> memref<632x128xf32, #tpu.memory_space<hbm>>
      %dma_start3A_21 = arith.constant 0 : i32
      %dma_start3A_22 = tpu.memref_slice %arg10[%mul3A_16, %dma_start3A_21] : memref<10112x128xf32, #tpu.memory_space<vmem_shared>> -> memref<632x128xf32, #tpu.memory_space<vmem_shared>>
      tpu.enqueue_dma source(%dma_start3A_22 : memref<632x128xf32, #tpu.memory_space<vmem_shared>>) target(%dma_start3A_20 : memref<632x128xf32, #tpu.memory_space<hbm>>) target_semaphore(%run_scoped3A : memref<!tpu.dma_semaphore, #tpu.memory_space<semaphore_mem>>)
      %dma_wait3A = arith.constant 0 : i32
      %dma_wait3A_23 = tpu.memref_slice %arg6[%arg0, %mul3A_18, %dma_wait3A] : memref<2x10112x128xf32, #tpu.memory_space<hbm>> -> memref<1x632x128xf32, #tpu.memory_space<hbm>>
      %dma_wait3A_24 = tpu.memref_squeeze %dma_wait3A_23 : memref<1x632x128xf32, #tpu.memory_space<hbm>> -> memref<632x128xf32, #tpu.memory_space<hbm>>
      %dma_wait3A_25 = arith.constant 0 : i32
      %dma_wait3A_26 = tpu.memref_slice %arg10[%mul3A_16, %dma_wait3A_25] : memref<10112x128xf32, #tpu.memory_space<vmem_shared>> -> memref<632x128xf32, #tpu.memory_space<vmem_shared>>
      tpu.wait_dma2 semaphore(%run_scoped3A : memref<!tpu.dma_semaphore, #tpu.memory_space<semaphore_mem>>) src(%dma_wait3A_26 : memref<632x128xf32, #tpu.memory_space<vmem_shared>>) dst(%dma_wait3A_24 : memref<632x128xf32, #tpu.memory_space<hbm>>)
      tpu.yield
    }) : () -> ()
    return
  }
}

#map = affine_map<(d0, d1) -> (0, 0)>
#map1 = affine_map<(d0, d1) -> (0, 0, 0)>
module attributes {stable_mosaic.version = 14 : i64} {
  func.func @body(%arg0: i32, %arg1: i32, %arg2: memref<10112x128xf32, #tpu.memory_space<hbm>>, %arg3: memref<2560x128xi32, #tpu.memory_space<hbm>>, %arg4: memref<2560x128xi32, #tpu.memory_space<hbm>>, %arg5: memref<10112x128xf32, #tpu.memory_space<hbm>>, %arg6: memref<2x10112x128xf32, #tpu.memory_space<hbm>>, %arg7: memref<80x128xi32, #tpu.memory_space<vmem>>, %arg8: memref<80x128xi32, #tpu.memory_space<vmem>>, %arg9: memref<128x128xf32, #tpu.memory_space<vmem>>, %arg10: memref<10112x128xf32, #tpu.memory_space<vmem_shared>>, %arg11: memref<!tpu.dma_semaphore, #tpu.memory_space<semaphore_mem>>) attributes {dimension_semantics = [#tpu.dimension_semantics<core_parallel>, #tpu.dimension_semantics<subcore_parallel>], iteration_bounds = array<i64: 2, 16>, scalar_prefetch = 0 : i64, scratch_operands = 5 : i64, tpu.core_type = #tpu.core_type<sc_vector_subcore>, window_params = [{transform_indices = #map}, {transform_indices = #map}, {transform_indices = #map}, {transform_indices = #map}, {transform_indices = #map1}]} {
    %mul3A = arith.constant 632 : i32
    %mul3A_0 = arith.muli %arg1, %mul3A : i32
    %mul3A_1 = arith.constant 632 : i32
    %mul3A_2 = arith.muli %arg1, %mul3A_1 : i32
    "tpu.region"() ({
      %run_scoped3A = tpu.sem_alloc : memref<!tpu.dma_semaphore, #tpu.memory_space<semaphore_mem>>
      %dma_start3A = arith.constant 0 : i32
      %dma_start3A_19 = tpu.memref_slice %arg10[%mul3A_2, %dma_start3A] : memref<10112x128xf32, #tpu.memory_space<vmem_shared>> -> memref<632x128xf32, #tpu.memory_space<vmem_shared>>
      %dma_start3A_20 = arith.constant 0 : i32
      %dma_start3A_21 = tpu.memref_slice %arg5[%mul3A_0, %dma_start3A_20] : memref<10112x128xf32, #tpu.memory_space<hbm>> -> memref<632x128xf32, #tpu.memory_space<hbm>>
      tpu.enqueue_dma source(%dma_start3A_21 : memref<632x128xf32, #tpu.memory_space<hbm>>) target(%dma_start3A_19 : memref<632x128xf32, #tpu.memory_space<vmem_shared>>) target_semaphore(%run_scoped3A : memref<!tpu.dma_semaphore, #tpu.memory_space<semaphore_mem>>)
      %dma_wait3A = arith.constant 0 : i32
      %dma_wait3A_22 = tpu.memref_slice %arg10[%mul3A_2, %dma_wait3A] : memref<10112x128xf32, #tpu.memory_space<vmem_shared>> -> memref<632x128xf32, #tpu.memory_space<vmem_shared>>
      %dma_wait3A_23 = arith.constant 0 : i32
      %dma_wait3A_24 = tpu.memref_slice %arg5[%mul3A_0, %dma_wait3A_23] : memref<10112x128xf32, #tpu.memory_space<hbm>> -> memref<632x128xf32, #tpu.memory_space<hbm>>
      tpu.wait_dma2 semaphore(%run_scoped3A : memref<!tpu.dma_semaphore, #tpu.memory_space<semaphore_mem>>) src(%dma_wait3A_24 : memref<632x128xf32, #tpu.memory_space<hbm>>) dst(%dma_wait3A_22 : memref<632x128xf32, #tpu.memory_space<vmem_shared>>)
      tpu.yield
    }) : () -> ()
    %mul3A_3 = arith.constant 16 : i32
    %mul3A_4 = arith.muli %arg0, %mul3A_3 : i32
    %add3A = arith.addi %mul3A_4, %arg1 : i32
    %mul3A_5 = arith.constant 80 : i32
    %mul3A_6 = arith.muli %add3A, %mul3A_5 : i32
    "tpu.region"() ({
      %run_scoped3A = tpu.sem_alloc : memref<!tpu.dma_semaphore, #tpu.memory_space<semaphore_mem>>
      %dma_start3A = arith.constant 0 : i32
      %dma_start3A_19 = tpu.memref_slice %arg3[%mul3A_6, %dma_start3A] : memref<2560x128xi32, #tpu.memory_space<hbm>> -> memref<80x128xi32, #tpu.memory_space<hbm>>
      %dma_start3A_20 = arith.constant 0 : i32
      %dma_start3A_21 = tpu.memref_slice %arg3[%mul3A_6, %dma_start3A_20] : memref<2560x128xi32, #tpu.memory_space<hbm>> -> memref<80x128xi32, #tpu.memory_space<hbm>>
      tpu.enqueue_dma source(%dma_start3A_21 : memref<80x128xi32, #tpu.memory_space<hbm>>) target(%arg7 : memref<80x128xi32, #tpu.memory_space<vmem>>) target_semaphore(%run_scoped3A : memref<!tpu.dma_semaphore, #tpu.memory_space<semaphore_mem>>)
      %dma_wait3A = arith.constant 0 : i32
      %dma_wait3A_22 = tpu.memref_slice %arg3[%mul3A_6, %dma_wait3A] : memref<2560x128xi32, #tpu.memory_space<hbm>> -> memref<80x128xi32, #tpu.memory_space<hbm>>
      %dma_wait3A_23 = arith.constant 0 : i32
      %dma_wait3A_24 = tpu.memref_slice %arg3[%mul3A_6, %dma_wait3A_23] : memref<2560x128xi32, #tpu.memory_space<hbm>> -> memref<80x128xi32, #tpu.memory_space<hbm>>
      tpu.wait_dma2 semaphore(%run_scoped3A : memref<!tpu.dma_semaphore, #tpu.memory_space<semaphore_mem>>) src(%dma_wait3A_24 : memref<80x128xi32, #tpu.memory_space<hbm>>) dst(%arg7 : memref<80x128xi32, #tpu.memory_space<vmem>>)
      tpu.yield
    }) : () -> ()
    %mul3A_7 = arith.constant 80 : i32
    %mul3A_8 = arith.muli %add3A, %mul3A_7 : i32
    "tpu.region"() ({
      %run_scoped3A = tpu.sem_alloc : memref<!tpu.dma_semaphore, #tpu.memory_space<semaphore_mem>>
      %dma_start3A = arith.constant 0 : i32
      %dma_start3A_19 = tpu.memref_slice %arg4[%mul3A_8, %dma_start3A] : memref<2560x128xi32, #tpu.memory_space<hbm>> -> memref<80x128xi32, #tpu.memory_space<hbm>>
      %dma_start3A_20 = arith.constant 0 : i32
      %dma_start3A_21 = tpu.memref_slice %arg4[%mul3A_8, %dma_start3A_20] : memref<2560x128xi32, #tpu.memory_space<hbm>> -> memref<80x128xi32, #tpu.memory_space<hbm>>
      tpu.enqueue_dma source(%dma_start3A_21 : memref<80x128xi32, #tpu.memory_space<hbm>>) target(%arg8 : memref<80x128xi32, #tpu.memory_space<vmem>>) target_semaphore(%run_scoped3A : memref<!tpu.dma_semaphore, #tpu.memory_space<semaphore_mem>>)
      %dma_wait3A = arith.constant 0 : i32
      %dma_wait3A_22 = tpu.memref_slice %arg4[%mul3A_8, %dma_wait3A] : memref<2560x128xi32, #tpu.memory_space<hbm>> -> memref<80x128xi32, #tpu.memory_space<hbm>>
      %dma_wait3A_23 = arith.constant 0 : i32
      %dma_wait3A_24 = tpu.memref_slice %arg4[%mul3A_8, %dma_wait3A_23] : memref<2560x128xi32, #tpu.memory_space<hbm>> -> memref<80x128xi32, #tpu.memory_space<hbm>>
      tpu.wait_dma2 semaphore(%run_scoped3A : memref<!tpu.dma_semaphore, #tpu.memory_space<semaphore_mem>>) src(%dma_wait3A_24 : memref<80x128xi32, #tpu.memory_space<hbm>>) dst(%arg8 : memref<80x128xi32, #tpu.memory_space<vmem>>)
      tpu.yield
    }) : () -> ()
    %barrier3A = arith.constant 0 : index
    tpu.barrier barrier_id(%barrier3A)
    %scan3A = arith.constant 0 : i32
    %scan3A_9 = arith.constant 0 : i32
    %scan3A_10 = arith.constant 80 : i32
    %scan3A_11 = arith.addi %scan3A_9, %scan3A_10 : i32
    %scan3A_12 = arith.constant 1 : i32
    scf.for %scan3A_19 = %scan3A_9 to %scan3A_11 step %scan3A_12  : i32 {
      %dma_start3A = arith.constant 0 : i32
      %dma_start3A_20 = tpu.memref_slice %arg7[%scan3A_19, %dma_start3A] : memref<80x128xi32, #tpu.memory_space<vmem>> -> memref<1x128xi32, #tpu.memory_space<vmem>>
      %dma_start3A_21 = tpu.memref_squeeze %dma_start3A_20 : memref<1x128xi32, #tpu.memory_space<vmem>> -> memref<128xi32, #tpu.memory_space<vmem>>
      %dma_start3A_22 = arith.constant 0 : i32
      %dma_start3A_23 = arith.constant 0 : i32
      %dma_start3A_24 = tpu.memref_slice %arg2[%dma_start3A_22, %dma_start3A_23] : memref<10112x128xf32, #tpu.memory_space<hbm>> -> memref<10112x128xf32, #tpu.memory_space<hbm>>
      tpu.enqueue_indirect_dma source(%dma_start3A_24 : memref<10112x128xf32, #tpu.memory_space<hbm>>) target(%arg9 : memref<128x128xf32, #tpu.memory_space<vmem>>) offsets(%dma_start3A_21 : memref<128xi32, #tpu.memory_space<vmem>>) semaphore(%arg11 : memref<!tpu.dma_semaphore, #tpu.memory_space<semaphore_mem>>)
      %dma_wait3A = arith.constant 0 : i32
      %dma_wait3A_25 = tpu.memref_slice %arg7[%scan3A_19, %dma_wait3A] : memref<80x128xi32, #tpu.memory_space<vmem>> -> memref<1x128xi32, #tpu.memory_space<vmem>>
      %dma_wait3A_26 = tpu.memref_squeeze %dma_wait3A_25 : memref<1x128xi32, #tpu.memory_space<vmem>> -> memref<128xi32, #tpu.memory_space<vmem>>
      %dma_wait3A_27 = arith.constant 0 : i32
      %dma_wait3A_28 = arith.constant 0 : i32
      %dma_wait3A_29 = tpu.memref_slice %arg2[%dma_wait3A_27, %dma_wait3A_28] : memref<10112x128xf32, #tpu.memory_space<hbm>> -> memref<10112x128xf32, #tpu.memory_space<hbm>>
      tpu.wait_indirect_dma semaphore(%arg11 : memref<!tpu.dma_semaphore, #tpu.memory_space<semaphore_mem>>) src(%dma_wait3A_29 : memref<10112x128xf32, #tpu.memory_space<hbm>>) dst(%arg9 : memref<128x128xf32, #tpu.memory_space<vmem>>)
      "tpu.region"() ({
        %run_scoped3A = tpu.sem_alloc : memref<!tpu.dma_semaphore, #tpu.memory_space<semaphore_mem>>
        %dma_start3A_30 = arith.constant 0 : i32
        %dma_start3A_31 = tpu.memref_slice %arg8[%scan3A_19, %dma_start3A_30] : memref<80x128xi32, #tpu.memory_space<vmem>> -> memref<1x128xi32, #tpu.memory_space<vmem>>
        %dma_start3A_32 = tpu.memref_squeeze %dma_start3A_31 : memref<1x128xi32, #tpu.memory_space<vmem>> -> memref<128xi32, #tpu.memory_space<vmem>>
        %dma_start3A_33 = arith.constant 0 : i32
        %dma_start3A_34 = arith.constant 0 : i32
        %dma_start3A_35 = tpu.memref_slice %arg10[%dma_start3A_33, %dma_start3A_34] : memref<10112x128xf32, #tpu.memory_space<vmem_shared>> -> memref<10112x128xf32, #tpu.memory_space<vmem_shared>>
        tpu.enqueue_indirect_dma source(%arg9 : memref<128x128xf32, #tpu.memory_space<vmem>>) target(%dma_start3A_35 : memref<10112x128xf32, #tpu.memory_space<vmem_shared>>) offsets(%dma_start3A_32 : memref<128xi32, #tpu.memory_space<vmem>>) semaphore(%run_scoped3A : memref<!tpu.dma_semaphore, #tpu.memory_space<semaphore_mem>>) {add = true}
        %dma_wait3A_36 = arith.constant 0 : i32
        %dma_wait3A_37 = tpu.memref_slice %arg8[%scan3A_19, %dma_wait3A_36] : memref<80x128xi32, #tpu.memory_space<vmem>> -> memref<1x128xi32, #tpu.memory_space<vmem>>
        %dma_wait3A_38 = tpu.memref_squeeze %dma_wait3A_37 : memref<1x128xi32, #tpu.memory_space<vmem>> -> memref<128xi32, #tpu.memory_space<vmem>>
        %dma_wait3A_39 = arith.constant 0 : i32
        %dma_wait3A_40 = arith.constant 0 : i32
        %dma_wait3A_41 = tpu.memref_slice %arg10[%dma_wait3A_39, %dma_wait3A_40] : memref<10112x128xf32, #tpu.memory_space<vmem_shared>> -> memref<10112x128xf32, #tpu.memory_space<vmem_shared>>
        tpu.wait_indirect_dma semaphore(%run_scoped3A : memref<!tpu.dma_semaphore, #tpu.memory_space<semaphore_mem>>) src(%arg9 : memref<128x128xf32, #tpu.memory_space<vmem>>) dst(%dma_wait3A_41 : memref<10112x128xf32, #tpu.memory_space<vmem_shared>>)
        tpu.yield
      }) : () -> ()
    }
    %scan3A_13 = arith.constant 80 : i32
    %barrier3A_14 = arith.constant 0 : index
    tpu.barrier barrier_id(%barrier3A_14)
    %mul3A_15 = arith.constant 632 : i32
    %mul3A_16 = arith.muli %arg1, %mul3A_15 : i32
    %mul3A_17 = arith.constant 632 : i32
    %mul3A_18 = arith.muli %arg1, %mul3A_17 : i32
    "tpu.region"() ({
      %run_scoped3A = tpu.sem_alloc : memref<!tpu.dma_semaphore, #tpu.memory_space<semaphore_mem>>
      %dma_start3A = arith.constant 0 : i32
      %dma_start3A_19 = tpu.memref_slice %arg6[%arg0, %mul3A_18, %dma_start3A] : memref<2x10112x128xf32, #tpu.memory_space<hbm>> -> memref<1x632x128xf32, #tpu.memory_space<hbm>>
      %dma_start3A_20 = tpu.memref_squeeze %dma_start3A_19 : memref<1x632x128xf32, #tpu.memory_space<hbm>> -> memref<632x128xf32, #tpu.memory_space<hbm>>
      %dma_start3A_21 = arith.constant 0 : i32
      %dma_start3A_22 = tpu.memref_slice %arg10[%mul3A_16, %dma_start3A_21] : memref<10112x128xf32, #tpu.memory_space<vmem_shared>> -> memref<632x128xf32, #tpu.memory_space<vmem_shared>>
      tpu.enqueue_dma source(%dma_start3A_22 : memref<632x128xf32, #tpu.memory_space<vmem_shared>>) target(%dma_start3A_20 : memref<632x128xf32, #tpu.memory_space<hbm>>) target_semaphore(%run_scoped3A : memref<!tpu.dma_semaphore, #tpu.memory_space<semaphore_mem>>)
      %dma_wait3A = arith.constant 0 : i32
      %dma_wait3A_23 = tpu.memref_slice %arg6[%arg0, %mul3A_18, %dma_wait3A] : memref<2x10112x128xf32, #tpu.memory_space<hbm>> -> memref<1x632x128xf32, #tpu.memory_space<hbm>>
      %dma_wait3A_24 = tpu.memref_squeeze %dma_wait3A_23 : memref<1x632x128xf32, #tpu.memory_space<hbm>> -> memref<632x128xf32, #tpu.memory_space<hbm>>
      %dma_wait3A_25 = arith.constant 0 : i32
      %dma_wait3A_26 = tpu.memref_slice %arg10[%mul3A_16, %dma_wait3A_25] : memref<10112x128xf32, #tpu.memory_space<vmem_shared>> -> memref<632x128xf32, #tpu.memory_space<vmem_shared>>
      tpu.wait_dma2 semaphore(%run_scoped3A : memref<!tpu.dma_semaphore, #tpu.memory_space<semaphore_mem>>) src(%dma_wait3A_26 : memref<632x128xf32, #tpu.memory_space<vmem_shared>>) dst(%dma_wait3A_24 : memref<632x128xf32, #tpu.memory_space<hbm>>)
      tpu.yield
    }) : () -> ()
    return
  }
}

module attributes {stable_mosaic.version = 14 : i64} {
  func.func @_t1_body(%arg0: i32, %arg1: memref<1000x128xf32, #tpu.memory_space<vmem>>, %arg2: memref<128x128xf32, #tpu.memory_space<vmem>>, %arg3: memref<1000x32xf32, #tpu.memory_space<vmem>>, %arg4: memref<1000x128xf32, #tpu.memory_space<vmem>>) attributes {dimension_semantics = [#tpu.dimension_semantics<arbitrary>], iteration_bounds = array<i64: 10>, scalar_prefetch = 0 : i64, scratch_operands = 0 : i64, tpu.core_type = #tpu.core_type<tc>, window_params = [{transform_indices = @transform_0, window_bounds = array<i64: 1000, 128>}, {pipeline_mode = #tpu.pipeline_mode<synchronous>, transform_indices = @transform_1, window_bounds = array<i64: 128, 128>}, {transform_indices = @transform_2, window_bounds = array<i64: 1000, 32>}, {transform_indices = @transform_3, window_bounds = array<i64: 1000, 128>}]} {
    %get3A = arith.constant 0 : index
    %get3A_0 = arith.constant 0 : index
    %get3A_1 = vector.load %arg3[%get3A, %get3A_0] : memref<1000x32xf32, #tpu.memory_space<vmem>>, vector<1000x32xf32>
    %reduce_sum3A = arith.constant dense<0.000000e+00> : vector<1000xf32>
    %reduce_sum3A_2 = vector.multi_reduction <add>, %get3A_1, %reduce_sum3A [1] : vector<1000x32xf32> to vector<1000xf32>
    %add3A = arith.constant 1.000000e+00 : f32
    %add3A_3 = vector.broadcast %add3A : f32 to vector<1000xf32>
    %add3A_4 = arith.addf %reduce_sum3A_2, %add3A_3 : vector<1000xf32>
    %rsqrt3A = math.rsqrt %add3A_4 : vector<1000xf32>
    %get3A_5 = arith.constant 0 : index
    %get3A_6 = arith.constant 0 : index
    %get3A_7 = vector.load %arg1[%get3A_5, %get3A_6] : memref<1000x128xf32, #tpu.memory_space<vmem>>, vector<1000x128xf32>
    %get3A_8 = arith.constant 0 : index
    %get3A_9 = arith.constant 0 : index
    %get3A_10 = vector.load %arg2[%get3A_8, %get3A_9] : memref<128x128xf32, #tpu.memory_space<vmem>>, vector<128x128xf32>
    %dot_general3A = arith.constant dense<0.000000e+00> : vector<1000x128xf32>
    %dot_general3A_11 = tpu.matmul %get3A_7, %get3A_10, %dot_general3A {dimension_numbers = #tpu.dot_dimension_numbers<[1], [0], [0], [1], [0, 0, 1, 1], [], []>, transpose_lhs_hint = false} : vector<1000x128xf32>, vector<128x128xf32>, vector<1000x128xf32> -> vector<1000x128xf32>
    %broadcast_in_dim3A = vector.shape_cast %rsqrt3A : vector<1000xf32> to vector<1000x1xf32>
    %mul3A = vector.broadcast %broadcast_in_dim3A : vector<1000x1xf32> to vector<1000x128xf32>
    %mul3A_12 = arith.mulf %dot_general3A_11, %mul3A : vector<1000x128xf32>
    %swap3A = arith.constant 0 : index
    %swap3A_13 = arith.constant 0 : index
    %swap3A_14 = vector.load %arg4[%swap3A, %swap3A_13] : memref<1000x128xf32, #tpu.memory_space<vmem>>, vector<1000x128xf32>
    tpu.vector_store %arg4[%swap3A, %swap3A_13], %mul3A_12 {strides = array<i32>} : memref<1000x128xf32, #tpu.memory_space<vmem>>, vector<1000x128xf32>,
    return
  }
  func.func @transform_0(%arg0: i32) -> (i32, i32) {
    %c0_i32 = arith.constant 0 : i32
    %c0_i32_0 = arith.constant 0 : i32
    return %arg0, %c0_i32 : i32, i32
  }
  func.func @transform_1(%arg0: i32) -> (i32, i32) {
    %c0_i32 = arith.constant 0 : i32
    %c0_i32_0 = arith.constant 0 : i32
    %c0_i32_1 = arith.constant 0 : i32
    return %c0_i32, %c0_i32_0 : i32, i32
  }
  func.func @transform_2(%arg0: i32) -> (i32, i32) {
    %c0_i32 = arith.constant 0 : i32
    %c0_i32_0 = arith.constant 0 : i32
    return %arg0, %c0_i32 : i32, i32
  }
  func.func @transform_3(%arg0: i32) -> (i32, i32) {
    %c0_i32 = arith.constant 0 : i32
    %c0_i32_0 = arith.constant 0 : i32
    return %arg0, %c0_i32 : i32, i32
  }
}

module attributes {stable_mosaic.version = 14 : i64} {
  func.func @_t2_body(%arg0: i32, %arg1: memref<2x1000x128xf32, #tpu.memory_space<vmem>>, %arg2: memref<1000x128xf32, #tpu.memory_space<vmem>>, %arg3: memref<1000x32xf32, #tpu.memory_space<vmem>>, %arg4: memref<1x128xf32, #tpu.memory_space<vmem>>, %arg5: memref<128x128xf32, #tpu.memory_space<vmem>>, %arg6: memref<1000x128xf32, #tpu.memory_space<vmem>>) attributes {dimension_semantics = [#tpu.dimension_semantics<arbitrary>], iteration_bounds = array<i64: 10>, scalar_prefetch = 0 : i64, scratch_operands = 0 : i64, tpu.core_type = #tpu.core_type<tc>, window_params = [{transform_indices = @transform_0, window_bounds = array<i64: 2, 1000, 128>}, {transform_indices = @transform_1, window_bounds = array<i64: 1000, 128>}, {transform_indices = @transform_2, window_bounds = array<i64: 1000, 32>}, {pipeline_mode = #tpu.pipeline_mode<synchronous>, transform_indices = @transform_3, window_bounds = array<i64: 1, 128>}, {pipeline_mode = #tpu.pipeline_mode<synchronous>, transform_indices = @transform_4, window_bounds = array<i64: 128, 128>}, {transform_indices = @transform_5, window_bounds = array<i64: 1000, 128>}]} {
    %get3A = arith.constant 0 : index
    %get3A_0 = arith.constant 0 : index
    %get3A_1 = vector.load %arg3[%get3A, %get3A_0] : memref<1000x32xf32, #tpu.memory_space<vmem>>, vector<1000x32xf32>
    %reduce_sum3A = arith.constant dense<0.000000e+00> : vector<1000xf32>
    %reduce_sum3A_2 = vector.multi_reduction <add>, %get3A_1, %reduce_sum3A [1] : vector<1000x32xf32> to vector<1000xf32>
    %add3A = arith.constant 1.000000e+00 : f32
    %add3A_3 = vector.broadcast %add3A : f32 to vector<1000xf32>
    %add3A_4 = arith.addf %reduce_sum3A_2, %add3A_3 : vector<1000xf32>
    %rsqrt3A = math.rsqrt %add3A_4 : vector<1000xf32>
    %get3A_5 = arith.constant 0 : index
    %get3A_6 = arith.constant 0 : index
    %get3A_7 = arith.constant 0 : index
    %get3A_8 = vector.load %arg1[%get3A_5, %get3A_6, %get3A_7] : memref<2x1000x128xf32, #tpu.memory_space<vmem>>, vector<1x1000x128xf32>
    %get3A_9 = vector.shape_cast %get3A_8 : vector<1x1000x128xf32> to vector<1000x128xf32>
    %get3A_10 = arith.constant 1 : index
    %get3A_11 = arith.constant 0 : index
    %get3A_12 = arith.constant 0 : index
    %get3A_13 = vector.load %arg1[%get3A_10, %get3A_11, %get3A_12] : memref<2x1000x128xf32, #tpu.memory_space<vmem>>, vector<1x1000x128xf32>
    %get3A_14 = vector.shape_cast %get3A_13 : vector<1x1000x128xf32> to vector<1000x128xf32>
    %add3A_15 = arith.addf %get3A_9, %get3A_14 : vector<1000x128xf32>
    %get3A_16 = arith.constant 0 : index
    %get3A_17 = arith.constant 0 : index
    %get3A_18 = vector.load %arg2[%get3A_16, %get3A_17] : memref<1000x128xf32, #tpu.memory_space<vmem>>, vector<1000x128xf32>
    %add3A_19 = arith.addf %add3A_15, %get3A_18 : vector<1000x128xf32>
    %broadcast_in_dim3A = vector.shape_cast %rsqrt3A : vector<1000xf32> to vector<1000x1xf32>
    %mul3A = vector.broadcast %broadcast_in_dim3A : vector<1000x1xf32> to vector<1000x128xf32>
    %mul3A_20 = arith.mulf %add3A_19, %mul3A : vector<1000x128xf32>
    %get3A_21 = arith.constant 0 : index
    %get3A_22 = arith.constant 0 : index
    %get3A_23 = vector.load %arg4[%get3A_21, %get3A_22] : memref<1x128xf32, #tpu.memory_space<vmem>>, vector<1x128xf32>
    %add3A_24 = vector.broadcast %get3A_23 : vector<1x128xf32> to vector<1000x128xf32>
    %add3A_25 = arith.addf %mul3A_20, %add3A_24 : vector<1000x128xf32>
    %max3A = arith.constant 0.000000e+00 : f32
    %max3A_26 = vector.broadcast %max3A : f32 to vector<1000x128xf32>
    %max3A_27 = arith.maximumf %add3A_25, %max3A_26 : vector<1000x128xf32>
    %get3A_28 = arith.constant 0 : index
    %get3A_29 = arith.constant 0 : index
    %get3A_30 = vector.load %arg5[%get3A_28, %get3A_29] : memref<128x128xf32, #tpu.memory_space<vmem>>, vector<128x128xf32>
    %dot_general3A = arith.constant dense<0.000000e+00> : vector<1000x128xf32>
    %dot_general3A_31 = tpu.matmul %max3A_27, %get3A_30, %dot_general3A {dimension_numbers = #tpu.dot_dimension_numbers<[1], [0], [0], [1], [0, 0, 1, 1], [], []>, transpose_lhs_hint = false} : vector<1000x128xf32>, vector<128x128xf32>, vector<1000x128xf32> -> vector<1000x128xf32>
    %broadcast_in_dim3A_32 = vector.shape_cast %rsqrt3A : vector<1000xf32> to vector<1000x1xf32>
    %mul3A_33 = vector.broadcast %broadcast_in_dim3A_32 : vector<1000x1xf32> to vector<1000x128xf32>
    %mul3A_34 = arith.mulf %dot_general3A_31, %mul3A_33 : vector<1000x128xf32>
    %swap3A = arith.constant 0 : index
    %swap3A_35 = arith.constant 0 : index
    %swap3A_36 = vector.load %arg6[%swap3A, %swap3A_35] : memref<1000x128xf32, #tpu.memory_space<vmem>>, vector<1000x128xf32>
    tpu.vector_store %arg6[%swap3A, %swap3A_35], %mul3A_34 {strides = array<i32>} : memref<1000x128xf32, #tpu.memory_space<vmem>>, vector<1000x128xf32>,
    return
  }
  func.func @transform_0(%arg0: i32) -> (i32, i32, i32) {
    %c0_i32 = arith.constant 0 : i32
    %c0_i32_0 = arith.constant 0 : i32
    %c0_i32_1 = arith.constant 0 : i32
    return %c0_i32, %arg0, %c0_i32_0 : i32, i32, i32
  }
  func.func @transform_1(%arg0: i32) -> (i32, i32) {
    %c0_i32 = arith.constant 0 : i32
    %c0_i32_0 = arith.constant 0 : i32
    return %arg0, %c0_i32 : i32, i32
  }
  func.func @transform_2(%arg0: i32) -> (i32, i32) {
    %c0_i32 = arith.constant 0 : i32
    %c0_i32_0 = arith.constant 0 : i32
    return %arg0, %c0_i32 : i32, i32
  }
  func.func @transform_3(%arg0: i32) -> (i32, i32) {
    %c0_i32 = arith.constant 0 : i32
    %c0_i32_0 = arith.constant 0 : i32
    %c0_i32_1 = arith.constant 0 : i32
    return %c0_i32, %c0_i32_0 : i32, i32
  }
  func.func @transform_4(%arg0: i32) -> (i32, i32) {
    %c0_i32 = arith.constant 0 : i32
    %c0_i32_0 = arith.constant 0 : i32
    %c0_i32_1 = arith.constant 0 : i32
    return %c0_i32, %c0_i32_0 : i32, i32
  }
  func.func @transform_5(%arg0: i32) -> (i32, i32) {
    %c0_i32 = arith.constant 0 : i32
    %c0_i32_0 = arith.constant 0 : i32
    return %arg0, %c0_i32 : i32, i32
  }
}

module attributes {stable_mosaic.version = 14 : i64} {
  func.func @_t3_body(%arg0: i32, %arg1: memref<2x1000x128xf32, #tpu.memory_space<vmem>>, %arg2: memref<1000x128xf32, #tpu.memory_space<vmem>>, %arg3: memref<1000x32xf32, #tpu.memory_space<vmem>>, %arg4: memref<1x128xf32, #tpu.memory_space<vmem>>, %arg5: memref<128x16xf32, #tpu.memory_space<vmem>>, %arg6: memref<1x16xf32, #tpu.memory_space<vmem>>, %arg7: memref<1x1x1000xi32, #tpu.memory_space<vmem>>, %arg8: memref<128x10xf32, #tpu.memory_space<vmem>>, %arg9: memref<1x10xf32, #tpu.memory_space<vmem>>, %arg10: memref<64x10xf32, #tpu.memory_space<vmem>>, %arg11: memref<1024x128xf32, #tpu.memory_space<vmem>>) attributes {dimension_semantics = [#tpu.dimension_semantics<arbitrary>], iteration_bounds = array<i64: 10>, scalar_prefetch = 0 : i64, scratch_operands = 1 : i64, tpu.core_type = #tpu.core_type<tc>, window_params = [{transform_indices = @transform_0, window_bounds = array<i64: 2, 1000, 128>}, {transform_indices = @transform_1, window_bounds = array<i64: 1000, 128>}, {transform_indices = @transform_2, window_bounds = array<i64: 1000, 32>}, {pipeline_mode = #tpu.pipeline_mode<synchronous>, transform_indices = @transform_3, window_bounds = array<i64: 1, 128>}, {pipeline_mode = #tpu.pipeline_mode<synchronous>, transform_indices = @transform_4, window_bounds = array<i64: 128, 16>}, {pipeline_mode = #tpu.pipeline_mode<synchronous>, transform_indices = @transform_5, window_bounds = array<i64: 1, 16>}, {transform_indices = @transform_6, window_bounds = array<i64: 1, 1, 1000>}, {pipeline_mode = #tpu.pipeline_mode<synchronous>, transform_indices = @transform_7, window_bounds = array<i64: 128, 10>}, {pipeline_mode = #tpu.pipeline_mode<synchronous>, transform_indices = @transform_8, window_bounds = array<i64: 1, 10>}, {pipeline_mode = #tpu.pipeline_mode<synchronous>, transform_indices = @transform_9, window_bounds = array<i64: 64, 10>}]} {
    %get3A = arith.constant 0 : index
    %get3A_0 = arith.constant 0 : index
    %get3A_1 = vector.load %arg3[%get3A, %get3A_0] : memref<1000x32xf32, #tpu.memory_space<vmem>>, vector<1000x32xf32>
    %reduce_sum3A = arith.constant dense<0.000000e+00> : vector<1000xf32>
    %reduce_sum3A_2 = vector.multi_reduction <add>, %get3A_1, %reduce_sum3A [1] : vector<1000x32xf32> to vector<1000xf32>
    %add3A = arith.constant 1.000000e+00 : f32
    %add3A_3 = vector.broadcast %add3A : f32 to vector<1000xf32>
    %add3A_4 = arith.addf %reduce_sum3A_2, %add3A_3 : vector<1000xf32>
    %rsqrt3A = math.rsqrt %add3A_4 : vector<1000xf32>
    %get3A_5 = arith.constant 0 : index
    %get3A_6 = arith.constant 0 : index
    %get3A_7 = arith.constant 0 : index
    %get3A_8 = vector.load %arg1[%get3A_5, %get3A_6, %get3A_7] : memref<2x1000x128xf32, #tpu.memory_space<vmem>>, vector<1x1000x128xf32>
    %get3A_9 = vector.shape_cast %get3A_8 : vector<1x1000x128xf32> to vector<1000x128xf32>
    %get3A_10 = arith.constant 1 : index
    %get3A_11 = arith.constant 0 : index
    %get3A_12 = arith.constant 0 : index
    %get3A_13 = vector.load %arg1[%get3A_10, %get3A_11, %get3A_12] : memref<2x1000x128xf32, #tpu.memory_space<vmem>>, vector<1x1000x128xf32>
    %get3A_14 = vector.shape_cast %get3A_13 : vector<1x1000x128xf32> to vector<1000x128xf32>
    %add3A_15 = arith.addf %get3A_9, %get3A_14 : vector<1000x128xf32>
    %get3A_16 = arith.constant 0 : index
    %get3A_17 = arith.constant 0 : index
    %get3A_18 = vector.load %arg2[%get3A_16, %get3A_17] : memref<1000x128xf32, #tpu.memory_space<vmem>>, vector<1000x128xf32>
    %add3A_19 = arith.addf %add3A_15, %get3A_18 : vector<1000x128xf32>
    %broadcast_in_dim3A = vector.shape_cast %rsqrt3A : vector<1000xf32> to vector<1000x1xf32>
    %mul3A = vector.broadcast %broadcast_in_dim3A : vector<1000x1xf32> to vector<1000x128xf32>
    %mul3A_20 = arith.mulf %add3A_19, %mul3A : vector<1000x128xf32>
    %get3A_21 = arith.constant 0 : index
    %get3A_22 = arith.constant 0 : index
    %get3A_23 = vector.load %arg4[%get3A_21, %get3A_22] : memref<1x128xf32, #tpu.memory_space<vmem>>, vector<1x128xf32>
    %add3A_24 = vector.broadcast %get3A_23 : vector<1x128xf32> to vector<1000x128xf32>
    %add3A_25 = arith.addf %mul3A_20, %add3A_24 : vector<1000x128xf32>
    %max3A = arith.constant 0.000000e+00 : f32
    %max3A_26 = vector.broadcast %max3A : f32 to vector<1000x128xf32>
    %max3A_27 = arith.maximumf %add3A_25, %max3A_26 : vector<1000x128xf32>
    %get3A_28 = arith.constant 0 : index
    %get3A_29 = arith.constant 0 : index
    %get3A_30 = vector.load %arg5[%get3A_28, %get3A_29] : memref<128x16xf32, #tpu.memory_space<vmem>>, vector<128x16xf32>
    %dot_general3A = arith.constant dense<0.000000e+00> : vector<1000x16xf32>
    %dot_general3A_31 = tpu.matmul %max3A_27, %get3A_30, %dot_general3A {dimension_numbers = #tpu.dot_dimension_numbers<[1], [0], [0], [1], [0, 0, 1, 1], [], []>, transpose_lhs_hint = false} : vector<1000x128xf32>, vector<128x16xf32>, vector<1000x16xf32> -> vector<1000x16xf32>
    %get3A_32 = arith.constant 0 : index
    %get3A_33 = arith.constant 0 : index
    %get3A_34 = vector.load %arg6[%get3A_32, %get3A_33] : memref<1x16xf32, #tpu.memory_space<vmem>>, vector<1x16xf32>
    %add3A_35 = vector.broadcast %get3A_34 : vector<1x16xf32> to vector<1000x16xf32>
    %add3A_36 = arith.addf %dot_general3A_31, %add3A_35 : vector<1000x16xf32>
    %reduce_max3A = arith.constant dense<0xFF800000> : vector<1000xf32>
    %reduce_max3A_37 = vector.multi_reduction <maximumf>, %add3A_36, %reduce_max3A [1] : vector<1000x16xf32> to vector<1000xf32>
    %broadcast_in_dim3A_38 = vector.shape_cast %reduce_max3A_37 : vector<1000xf32> to vector<1000x1xf32>
    %sub3A = vector.broadcast %broadcast_in_dim3A_38 : vector<1000x1xf32> to vector<1000x16xf32>
    %sub3A_39 = arith.subf %add3A_36, %sub3A : vector<1000x16xf32>
    %exp3A = math.exp %sub3A_39 : vector<1000x16xf32>
    %reduce_sum3A_40 = arith.constant dense<0.000000e+00> : vector<1000xf32>
    %reduce_sum3A_41 = vector.multi_reduction <add>, %exp3A, %reduce_sum3A_40 [1] : vector<1000x16xf32> to vector<1000xf32>
    %broadcast_in_dim3A_42 = vector.shape_cast %reduce_sum3A_41 : vector<1000xf32> to vector<1000x1xf32>
    %div3A = vector.broadcast %broadcast_in_dim3A_42 : vector<1000x1xf32> to vector<1000x16xf32>
    %div3A_43 = arith.divf %exp3A, %div3A : vector<1000x16xf32>
    %get3A_44 = arith.constant 0 : index
    %get3A_45 = arith.constant 0 : index
    %get3A_46 = arith.constant 0 : index
    %get3A_47 = vector.load %arg7[%get3A_44, %get3A_45, %get3A_46] : memref<1x1x1000xi32, #tpu.memory_space<vmem>>, vector<1x1x1000xi32>
    %squeeze3A = vector.shape_cast %get3A_47 : vector<1x1x1000xi32> to vector<1000xi32>
    %iota3A = tpu.iota {dimensions = array<i32: 1>} : vector<1000x1024xi32>
    %jit3A = arith.constant 16 : i32
    %div3A_48 = vector.broadcast %jit3A : i32 to vector<1000x1024xi32>
    %div3A_49 = arith.divsi %iota3A, %div3A_48 : vector<1000x1024xi32>
    %sign3A = arith.constant 0 : i32
    %sign3A_50 = vector.broadcast %sign3A : i32 to vector<1000x1024xi32>
    %sign3A_51 = arith.cmpi sgt, %iota3A, %sign3A_50 : vector<1000x1024xi32>
    %sign3A_52 = arith.extui %sign3A_51 : vector<1000x1024xi1> to vector<1000x1024xi32>
    %sign3A_53 = arith.constant 0 : i32
    %sign3A_54 = vector.broadcast %sign3A_53 : i32 to vector<1000x1024xi32>
    %sign3A_55 = arith.cmpi slt, %iota3A, %sign3A_54 : vector<1000x1024xi32>
    %sign3A_56 = arith.extui %sign3A_55 : vector<1000x1024xi1> to vector<1000x1024xi32>
    %sign3A_57 = arith.subi %sign3A_52, %sign3A_56 : vector<1000x1024xi32>
    %sign3A_58 = arith.constant 0 : i32
    %sign3A_59 = arith.cmpi sgt, %jit3A, %sign3A_58 : i32
    %sign3A_60 = arith.extui %sign3A_59 : i1 to i32
    %sign3A_61 = arith.constant 0 : i32
    %sign3A_62 = arith.cmpi slt, %jit3A, %sign3A_61 : i32
    %sign3A_63 = arith.extui %sign3A_62 : i1 to i32
    %sign3A_64 = arith.subi %sign3A_60, %sign3A_63 : i32
    %ne3A = vector.broadcast %sign3A_64 : i32 to vector<1000x1024xi32>
    %ne3A_65 = arith.cmpi ne, %sign3A_57, %ne3A : vector<1000x1024xi32>
    %rem3A = vector.broadcast %jit3A : i32 to vector<1000x1024xi32>
    %rem3A_66 = arith.remsi %iota3A, %rem3A : vector<1000x1024xi32>
    %ne3A_67 = arith.constant 0 : i32
    %ne3A_68 = vector.broadcast %ne3A_67 : i32 to vector<1000x1024xi32>
    %ne3A_69 = arith.cmpi ne, %rem3A_66, %ne3A_68 : vector<1000x1024xi32>
    %and3A = arith.andi %ne3A_65, %ne3A_69 : vector<1000x1024xi1>
    %sub3A_70 = arith.constant 1 : i32
    %sub3A_71 = vector.broadcast %sub3A_70 : i32 to vector<1000x1024xi32>
    %sub3A_72 = arith.subi %div3A_49, %sub3A_71 : vector<1000x1024xi32>
    %select_n3A = arith.select %and3A, %sub3A_72, %div3A_49 : vector<1000x1024xi1>, vector<1000x1024xi32>
    %concatenate3A = tpu.concatenate %div3A_43, %div3A_43, %div3A_43, %div3A_43, %div3A_43, %div3A_43, %div3A_43, %div3A_43, %div3A_43, %div3A_43, %div3A_43, %div3A_43, %div3A_43, %div3A_43, %div3A_43, %div3A_43, %div3A_43, %div3A_43, %div3A_43, %div3A_43, %div3A_43, %div3A_43, %div3A_43, %div3A_43, %div3A_43, %div3A_43, %div3A_43, %div3A_43, %div3A_43, %div3A_43, %div3A_43, %div3A_43, %div3A_43, %div3A_43, %div3A_43, %div3A_43, %div3A_43, %div3A_43, %div3A_43, %div3A_43, %div3A_43, %div3A_43, %div3A_43, %div3A_43, %div3A_43, %div3A_43, %div3A_43, %div3A_43, %div3A_43, %div3A_43, %div3A_43, %div3A_43, %div3A_43, %div3A_43, %div3A_43, %div3A_43, %div3A_43, %div3A_43, %div3A_43, %div3A_43, %div3A_43, %div3A_43, %div3A_43, %div3A_43 in 1 : vector<1000x16xf32>, vector<1000x16xf32>, vector<1000x16xf32>, vector<1000x16xf32>, vector<1000x16xf32>, vector<1000x16xf32>, vector<1000x16xf32>, vector<1000x16xf32>, vector<1000x16xf32>, vector<1000x16xf32>, vector<1000x16xf32>, vector<1000x16xf32>, vector<1000x16xf32>, vector<1000x16xf32>, vector<1000x16xf32>, vector<1000x16xf32>, vector<1000x16xf32>, vector<1000x16xf32>, vector<1000x16xf32>, vector<1000x16xf32>, vector<1000x16xf32>, vector<1000x16xf32>, vector<1000x16xf32>, vector<1000x16xf32>, vector<1000x16xf32>, vector<1000x16xf32>, vector<1000x16xf32>, vector<1000x16xf32>, vector<1000x16xf32>, vector<1000x16xf32>, vector<1000x16xf32>, vector<1000x16xf32>, vector<1000x16xf32>, vector<1000x16xf32>, vector<1000x16xf32>, vector<1000x16xf32>, vector<1000x16xf32>, vector<1000x16xf32>, vector<1000x16xf32>, vector<1000x16xf32>, vector<1000x16xf32>, vector<1000x16xf32>, vector<1000x16xf32>, vector<1000x16xf32>, vector<1000x16xf32>, vector<1000x16xf32>, vector<1000x16xf32>, vector<1000x16xf32>, vector<1000x16xf32>, vector<1000x16xf32>, vector<1000x16xf32>, vector<1000x16xf32>, vector<1000x16xf32>, vector<1000x16xf32>, vector<1000x16xf32>, vector<1000x16xf32>, vector<1000x16xf32>, vector<1000x16xf32>, vector<1000x16xf32>, vector<1000x16xf32>, vector<1000x16xf32>, vector<1000x16xf32>, vector<1000x16xf32>, vector<1000x16xf32> -> vector<1000x1024xf32>
    %broadcast_in_dim3A_73 = vector.shape_cast %squeeze3A : vector<1000xi32> to vector<1000x1xi32>
    %eq3A = vector.broadcast %broadcast_in_dim3A_73 : vector<1000x1xi32> to vector<1000x1024xi32>
    %eq3A_74 = arith.cmpi eq, %eq3A, %select_n3A : vector<1000x1024xi32>
    %jit3A_75 = arith.constant 0.000000e+00 : f32
    %broadcast_in_dim3A_76 = vector.broadcast %jit3A_75 : f32 to vector<1000x1024xf32>
    %select_n3A_77 = arith.select %eq3A_74, %concatenate3A, %broadcast_in_dim3A_76 : vector<1000x1024xi1>, vector<1000x1024xf32>
    %dot_general3A_78 = arith.constant dense<0.000000e+00> : vector<1024x128xf32>
    %dot_general3A_79 = tpu.matmul %select_n3A_77, %max3A_27, %dot_general3A_78 {dimension_numbers = #tpu.dot_dimension_numbers<[0], [0], [1], [1], [0, 1, 1, 1], [], []>, transpose_lhs_hint = false} : vector<1000x1024xf32>, vector<1000x128xf32>, vector<1024x128xf32> -> vector<1024x128xf32>
    %eq3A_80 = arith.constant 0 : i32
    %eq3A_81 = arith.cmpi eq, %arg0, %eq3A_80 : i32
    %convert_element_type3A = arith.extui %eq3A_81 : i1 to i32
    %cond3A = arith.constant 0 : i32
    %cond3A_82 = arith.cmpi ne, %convert_element_type3A, %cond3A : i32
    scf.if %cond3A_82 {
      %swap3A = arith.constant 0 : index
      %swap3A_92 = arith.constant 0 : index
      %swap3A_93 = vector.load %arg11[%swap3A, %swap3A_92] : memref<1024x128xf32, #tpu.memory_space<vmem>>, vector<1024x128xf32>
      tpu.vector_store %arg11[%swap3A, %swap3A_92], %dot_general3A_79 {strides = array<i32>} : memref<1024x128xf32, #tpu.memory_space<vmem>>, vector<1024x128xf32>,
    } else {
    }
    %gt3A = arith.constant 0 : i32
    %gt3A_83 = arith.cmpi sgt, %arg0, %gt3A : i32
    %convert_element_type3A_84 = arith.extui %gt3A_83 : i1 to i32
    %cond3A_85 = arith.constant 0 : i32
    %cond3A_86 = arith.cmpi ne, %convert_element_type3A_84, %cond3A_85 : i32
    scf.if %cond3A_86 {
      %get3A_92 = arith.constant 0 : index
      %get3A_93 = arith.constant 0 : index
      %get3A_94 = vector.load %arg11[%get3A_92, %get3A_93] : memref<1024x128xf32, #tpu.memory_space<vmem>>, vector<1024x128xf32>
      %add3A_95 = arith.addf %get3A_94, %dot_general3A_79 : vector<1024x128xf32>
      %swap3A = arith.constant 0 : index
      %swap3A_96 = arith.constant 0 : index
      %swap3A_97 = vector.load %arg11[%swap3A, %swap3A_96] : memref<1024x128xf32, #tpu.memory_space<vmem>>, vector<1024x128xf32>
      tpu.vector_store %arg11[%swap3A, %swap3A_96], %add3A_95 {strides = array<i32>} : memref<1024x128xf32, #tpu.memory_space<vmem>>, vector<1024x128xf32>,
    } else {
    }
    %eq3A_87 = arith.constant 9 : i32
    %eq3A_88 = arith.cmpi eq, %arg0, %eq3A_87 : i32
    %convert_element_type3A_89 = arith.extui %eq3A_88 : i1 to i32
    %cond3A_90 = arith.constant 0 : i32
    %cond3A_91 = arith.cmpi ne, %convert_element_type3A_89, %cond3A_90 : i32
    scf.if %cond3A_91 {
      %get3A_92 = arith.constant 0 : index
      %get3A_93 = arith.constant 0 : index
      %get3A_94 = vector.load %arg11[%get3A_92, %get3A_93] : memref<1024x128xf32, #tpu.memory_space<vmem>>, vector<1024x128xf32>
      %gt3A_95 = arith.constant 0.000000e+00 : f32
      %gt3A_96 = vector.broadcast %gt3A_95 : f32 to vector<1024x128xf32>
      %gt3A_97 = arith.cmpf ogt, %get3A_94, %gt3A_96 : vector<1024x128xf32>
      %exp3A_98 = math.exp %get3A_94 : vector<1024x128xf32>
      %sub3A_99 = arith.constant 1.000000e+00 : f32
      %sub3A_100 = vector.broadcast %sub3A_99 : f32 to vector<1024x128xf32>
      %sub3A_101 = arith.subf %exp3A_98, %sub3A_100 : vector<1024x128xf32>
      %mul3A_102 = arith.constant 1.67326319 : f32
      %mul3A_103 = vector.broadcast %mul3A_102 : f32 to vector<1024x128xf32>
      %mul3A_104 = arith.mulf %mul3A_103, %sub3A_101 : vector<1024x128xf32>
      %select_n3A_105 = arith.select %gt3A_97, %get3A_94, %mul3A_104 : vector<1024x128xi1>, vector<1024x128xf32>
      %mul3A_106 = arith.constant 1.05070102 : f32
      %mul3A_107 = vector.broadcast %mul3A_106 : f32 to vector<1024x128xf32>
      %mul3A_108 = arith.mulf %mul3A_107, %select_n3A_105 : vector<1024x128xf32>
      %iota3A_109 = tpu.iota {dimensions = array<i32: 0>} : vector<64x1024xi32>
      %iota3A_110 = tpu.iota {dimensions = array<i32: 1>} : vector<64x1024xi32>
      %jit3A_111 = arith.constant 16 : i32
      %div3A_112 = vector.broadcast %jit3A_111 : i32 to vector<64x1024xi32>
      %div3A_113 = arith.divsi %iota3A_110, %div3A_112 : vector<64x1024xi32>
      %sign3A_114 = arith.constant 0 : i32
      %sign3A_115 = vector.broadcast %sign3A_114 : i32 to vector<64x1024xi32>
      %sign3A_116 = arith.cmpi sgt, %iota3A_110, %sign3A_115 : vector<64x1024xi32>
      %sign3A_117 = arith.extui %sign3A_116 : vector<64x1024xi1> to vector<64x1024xi32>
      %sign3A_118 = arith.constant 0 : i32
      %sign3A_119 = vector.broadcast %sign3A_118 : i32 to vector<64x1024xi32>
      %sign3A_120 = arith.cmpi slt, %iota3A_110, %sign3A_119 : vector<64x1024xi32>
      %sign3A_121 = arith.extui %sign3A_120 : vector<64x1024xi1> to vector<64x1024xi32>
      %sign3A_122 = arith.subi %sign3A_117, %sign3A_121 : vector<64x1024xi32>
      %sign3A_123 = arith.constant 0 : i32
      %sign3A_124 = arith.cmpi sgt, %jit3A_111, %sign3A_123 : i32
      %sign3A_125 = arith.extui %sign3A_124 : i1 to i32
      %sign3A_126 = arith.constant 0 : i32
      %sign3A_127 = arith.cmpi slt, %jit3A_111, %sign3A_126 : i32
      %sign3A_128 = arith.extui %sign3A_127 : i1 to i32
      %sign3A_129 = arith.subi %sign3A_125, %sign3A_128 : i32
      %ne3A_130 = vector.broadcast %sign3A_129 : i32 to vector<64x1024xi32>
      %ne3A_131 = arith.cmpi ne, %sign3A_122, %ne3A_130 : vector<64x1024xi32>
      %rem3A_132 = vector.broadcast %jit3A_111 : i32 to vector<64x1024xi32>
      %rem3A_133 = arith.remsi %iota3A_110, %rem3A_132 : vector<64x1024xi32>
      %ne3A_134 = arith.constant 0 : i32
      %ne3A_135 = vector.broadcast %ne3A_134 : i32 to vector<64x1024xi32>
      %ne3A_136 = arith.cmpi ne, %rem3A_133, %ne3A_135 : vector<64x1024xi32>
      %and3A_137 = arith.andi %ne3A_131, %ne3A_136 : vector<64x1024xi1>
      %sub3A_138 = arith.constant 1 : i32
      %sub3A_139 = vector.broadcast %sub3A_138 : i32 to vector<64x1024xi32>
      %sub3A_140 = arith.subi %div3A_113, %sub3A_139 : vector<64x1024xi32>
      %select_n3A_141 = arith.select %and3A_137, %sub3A_140, %div3A_113 : vector<64x1024xi1>, vector<64x1024xi32>
      %eq3A_142 = arith.cmpi eq, %iota3A_109, %select_n3A_141 : vector<64x1024xi32>
      %jit3A_143 = arith.constant 6.250000e-02 : f32
      %jit3A_144 = arith.constant 0.000000e+00 : f32
      %broadcast_in_dim3A_145 = vector.broadcast %jit3A_143 : f32 to vector<64x1024xf32>
      %broadcast_in_dim3A_146 = vector.broadcast %jit3A_144 : f32 to vector<64x1024xf32>
      %select_n3A_147 = arith.select %eq3A_142, %broadcast_in_dim3A_145, %broadcast_in_dim3A_146 : vector<64x1024xi1>, vector<64x1024xf32>
      %dot_general3A_148 = arith.constant dense<0.000000e+00> : vector<64x128xf32>
      %dot_general3A_149 = tpu.matmul %select_n3A_147, %mul3A_108, %dot_general3A_148 {dimension_numbers = #tpu.dot_dimension_numbers<[1], [0], [0], [1], [0, 0, 1, 1], [], []>, transpose_lhs_hint = false} : vector<64x1024xf32>, vector<1024x128xf32>, vector<64x128xf32> -> vector<64x128xf32>
      %get3A_150 = arith.constant 0 : index
      %get3A_151 = arith.constant 0 : index
      %get3A_152 = vector.load %arg8[%get3A_150, %get3A_151] : memref<128x10xf32, #tpu.memory_space<vmem>>, vector<128x10xf32>
      %dot_general3A_153 = arith.constant dense<0.000000e+00> : vector<64x10xf32>
      %dot_general3A_154 = tpu.matmul %dot_general3A_149, %get3A_152, %dot_general3A_153 {dimension_numbers = #tpu.dot_dimension_numbers<[1], [0], [0], [1], [0, 0, 1, 1], [], []>, transpose_lhs_hint = false} : vector<64x128xf32>, vector<128x10xf32>, vector<64x10xf32> -> vector<64x10xf32>
      %get3A_155 = arith.constant 0 : index
      %get3A_156 = arith.constant 0 : index
      %get3A_157 = vector.load %arg9[%get3A_155, %get3A_156] : memref<1x10xf32, #tpu.memory_space<vmem>>, vector<1x10xf32>
      %add3A_158 = vector.broadcast %get3A_157 : vector<1x10xf32> to vector<64x10xf32>
      %add3A_159 = arith.addf %dot_general3A_154, %add3A_158 : vector<64x10xf32>
      %swap3A = arith.constant 0 : index
      %swap3A_160 = arith.constant 0 : index
      %swap3A_161 = vector.load %arg10[%swap3A, %swap3A_160] : memref<64x10xf32, #tpu.memory_space<vmem>>, vector<64x10xf32>
      tpu.vector_store %arg10[%swap3A, %swap3A_160], %add3A_159 {strides = array<i32>} : memref<64x10xf32, #tpu.memory_space<vmem>>, vector<64x10xf32>,
    } else {
    }
    return
  }
  func.func @transform_0(%arg0: i32) -> (i32, i32, i32) {
    %c0_i32 = arith.constant 0 : i32
    %c0_i32_0 = arith.constant 0 : i32
    %c0_i32_1 = arith.constant 0 : i32
    return %c0_i32, %arg0, %c0_i32_0 : i32, i32, i32
  }
  func.func @transform_1(%arg0: i32) -> (i32, i32) {
    %c0_i32 = arith.constant 0 : i32
    %c0_i32_0 = arith.constant 0 : i32
    return %arg0, %c0_i32 : i32, i32
  }
  func.func @transform_2(%arg0: i32) -> (i32, i32) {
    %c0_i32 = arith.constant 0 : i32
    %c0_i32_0 = arith.constant 0 : i32
    return %arg0, %c0_i32 : i32, i32
  }
  func.func @transform_3(%arg0: i32) -> (i32, i32) {
    %c0_i32 = arith.constant 0 : i32
    %c0_i32_0 = arith.constant 0 : i32
    %c0_i32_1 = arith.constant 0 : i32
    return %c0_i32, %c0_i32_0 : i32, i32
  }
  func.func @transform_4(%arg0: i32) -> (i32, i32) {
    %c0_i32 = arith.constant 0 : i32
    %c0_i32_0 = arith.constant 0 : i32
    %c0_i32_1 = arith.constant 0 : i32
    return %c0_i32, %c0_i32_0 : i32, i32
  }
  func.func @transform_5(%arg0: i32) -> (i32, i32) {
    %c0_i32 = arith.constant 0 : i32
    %c0_i32_0 = arith.constant 0 : i32
    %c0_i32_1 = arith.constant 0 : i32
    return %c0_i32, %c0_i32_0 : i32, i32
  }
  func.func @transform_6(%arg0: i32) -> (i32, i32, i32) {
    %c0_i32 = arith.constant 0 : i32
    %c0_i32_0 = arith.constant 0 : i32
    %c0_i32_1 = arith.constant 0 : i32
    return %arg0, %c0_i32, %c0_i32_0 : i32, i32, i32
  }
  func.func @transform_7(%arg0: i32) -> (i32, i32) {
    %c0_i32 = arith.constant 0 : i32
    %c0_i32_0 = arith.constant 0 : i32
    %c0_i32_1 = arith.constant 0 : i32
    return %c0_i32, %c0_i32_0 : i32, i32
  }
  func.func @transform_8(%arg0: i32) -> (i32, i32) {
    %c0_i32 = arith.constant 0 : i32
    %c0_i32_0 = arith.constant 0 : i32
    %c0_i32_1 = arith.constant 0 : i32
    return %c0_i32, %c0_i32_0 : i32, i32
  }
  func.func @transform_9(%arg0: i32) -> (i32, i32) {
    %c0_i32 = arith.constant 0 : i32
    %c0_i32_0 = arith.constant 0 : i32
    %c0_i32_1 = arith.constant 0 : i32
    return %c0_i32, %c0_i32_0 : i32, i32
  }
}

</mosaic_0001>

<sc_bundles>
// kernel: kernel.11.cloned.1.call-start
scs
__scs_entry_jumppad:
0x0: {  	(pc) =	sbr.rel $0x88, $3  }
0x1: {  	(tag) =	ssettag $0x0;
	lr =	simm.s32 $0x1  }
0x2: {  	[smem:$0x3F96] =	sst lr;
	_ =	strace $0xD0000000  }
0x3: {  	_ = 	snop  }
0x4: {  	_ = 	snop  }
0x5: {  	_ = 	snop  }
0x6: {  	_ = 	snop  }
0x7: {  	_ = 	snop  }
__scs_overlays_trampoline_lowered:
0x8: {  	[smem:$0x3FA5] =	sst s0  }
0x9: {  	[smem:$0x3FA6] =	sst s1  }
0xa: {  	[smem:$0x3FA7] =	sst s2  }
0xb: {  	[smem:$0x3FA8] =	sst s3  }
0xc: {  	[smem:$0x3FA9] =	sst s4  }
0xd: {  	[smem:$0x3FAA] =	sst s5  }
0xe: {  	[smem:$0x3FAB] =	sst s6  }
0xf: {  	[smem:$0x3FAC] =	sst s7  }
0x10: {  	[smem:$0x3FAD] =	sst s8  }
0x11: {  	[smem:$0x3FAE] =	sst s9;
	s0 =	simm.s32 @!p0 $0x0  }
0x12: {  	s1 =	sld [smem:$0x3F94];
	s0 =	simm.s32 @p0 $0x1  }
0x13: {  	[smem:$0x3FAF] =	sst s0;
	s0 =	simm.s32 @!p1 $0x0  }
0x14: {  	s2 =	sld [smem:$0x3F93];
	s0 =	simm.s32 @p1 $0x1  }
0x15: {  	[smem:$0x3FB0] =	sst s0;
	s0 =	simm.s32 @!p2 $0x0  }
0x16: {  	s3 =	sld [smem:$0x3FDB];
	s0 =	simm.s32 @p2 $0x1  }
0x17: {  	s4 =	simm.s32 $0x1BF5;
	[smem:$0x3FB2] =	sst s0  }
0x18: {  	s0 =	sld [smem:$0x3F95];
	_ =	swait.ge [sflag:s4], $0x0  }
0x19: {  	s7 =	sld [smem:$0x3F96]  }
0x1a: {  	s8 =	sadd.s32 $0xFFFFE003, lr  }
0x1b: {  	s9 =	sadd.s32 $0xFFFFFEF7, lr;
	s5 =	simm.s32 $0xFFFFFFFF;
	p2 =	slt.u32 s8, $0xFFFFF086  }
0x1c: {  	p1 =	slt.u32 s9, $0xF7A;
	s5 =	simm.s32 @!p2 $0x0  }
0x1d: {  	s5 =	simm.s32 @p1 $0x1;
	p0 =	seq.s32 s7, s2  }
0x1e: {  	s7 =	smul.u32 @!p0 $0xF7A, s2;
	p2 =	seq.s32 @!p0 s5, $0x0  }
0x1f: {  	s9 =	smul.u32 $0xF7A, s1;
	s8 =	simm.s32 @!p0 $0x1BF5;
	p2 =	por !p2, p0  }
0x20: {  	[sflag:s8] =	ssyncset.s32 @!p0 $0xFFFFF086;
	s6 =	sadd.s32 @!p0 s3, s7;
	s7 =	simm.s32 @!p0 $0x108  }
0x21: {  	s3 =	sadd.s32 s3, s9;
	s6 =	sadd.s32 @!p0 $0x88, s6;
	s7 =	simm.s32 @p2 $0x1082  }
0x22: {  	[simem:s7], [sflag:s8] =	dma.local @!p0 [hbm:s6], $0xF7A  }
0x23: {  	s9 =	sor.u32 $0xD0000000, s2;
	s6 =	simm.s32 $0x108;
	_ =	swait.ge @!p0 [sflag:s8], $0x0  }
0x24: {  	s3 =	sadd.s32 $0x88, s3;
	s6 =	simm.s32 @!p1 $0x1082;
	[sflag:s4] =	ssyncset.s32 $0xFFFFF086  }
0x25: {  	[simem:s6], [sflag:s4] =	dma.local [hbm:s3], $0xF7A  }
0x26: {  	[smem:$0x3F96] =	sst s1;
	(tag) =	ssettag s2;
	_ =	strace s9  }
0x27: {  	s1 =	sld [smem:$0x3FA6]  }
0x28: {  	s2 =	sld [smem:$0x3FA7]  }
0x29: {  	s4 =	sld [smem:$0x3FA9]  }
0x2a: {  	p0 =	seq.s32 s5, $0x0;
	s5 =	sld [smem:$0x3FAA]  }
0x2b: {  	s6 =	sld [smem:$0x3FAB]  }
0x2c: {  	s7 =	sld [smem:$0x3FAC]  }
0x2d: {  	s3 =	simm.s32 $0x108;
	s8 =	sld [smem:$0x3FAD]  }
0x2e: {  	s3 =	simm.s32 @!p0 $0x1082;
	s9 =	sld [smem:$0x3FAE]  }
0x2f: {  	lr =	sadd.s32 s0, s3;
	s0 =	sld [smem:$0x3FA5]  }
0x30: {  	s3 =	sld [smem:$0x3FA8]  }
0x31: {  	[smem:$0x3FB1] =	sst s10  }
0x32: {  	s10 =	sld [smem:$0x3FAF];
	_ =	sdelay $0x3  }
0x33: {  	p0 =	seq.s32 s10, $0x1;
	s10 =	sld [smem:$0x3FB1];
	_ =	sdelay $0x3  }
0x34: {  	[smem:$0x3FB1] =	sst s10  }
0x35: {  	s10 =	sld [smem:$0x3FB0];
	_ =	sdelay $0x3  }
0x36: {  	p1 =	seq.s32 s10, $0x1;
	s10 =	sld [smem:$0x3FB1];
	_ =	sdelay $0x3  }
0x37: {  	[smem:$0x3FB1] =	sst s10  }
0x38: {  	s10 =	sld [smem:$0x3FB2]  }
0x39: {  	_ = 	snop;
	(pc) =	sbr.ind lr, $3  }
0x3a: {  	_ = 	snop  }
0x3b: {  	_ = 	snop  }
0x3c: {  	p2 =	seq.s32 s10, $0x1;
	s10 =	sld [smem:$0x3FB1]  }
0x3d: {  	_ =	shalt  }
0x3e: {  	_ =	shalt  }
0x3f: {  	_ =	shalt  }
0x40: {  	_ =	shalt  }
0x41: {  	_ =	shalt  }
0x42: {  	_ =	shalt  }
0x43: {  	_ =	shalt  }
0x44: {  	_ =	shalt  }
0x45: {  	_ =	shalt  }
0x46: {  	_ =	shalt  }
0x47: {  	_ =	shalt  }
0x48: {  	_ =	shalt  }
0x49: {  	_ =	shalt  }
0x4a: {  	_ =	shalt  }
0x4b: {  	_ =	shalt  }
0x4c: {  	_ =	shalt  }
0x4d: {  	_ =	shalt  }
0x4e: {  	_ =	shalt  }
0x4f: {  	_ =	shalt  }
0x50: {  	_ =	shalt  }
0x51: {  	_ =	shalt  }
0x52: {  	_ =	shalt  }
0x53: {  	_ =	shalt  }
0x54: {  	_ =	shalt  }
0x55: {  	_ =	shalt  }
0x56: {  	_ =	shalt  }
0x57: {  	_ =	shalt  }
0x58: {  	_ =	shalt  }
0x59: {  	_ =	shalt  }
0x5a: {  	_ =	shalt  }
0x5b: {  	_ =	shalt  }
0x5c: {  	_ =	shalt  }
0x5d: {  	_ =	shalt  }
0x5e: {  	_ =	shalt  }
0x5f: {  	_ =	shalt  }
0x60: {  	_ =	shalt  }
0x61: {  	_ =	shalt  }
0x62: {  	_ =	shalt  }
0x63: {  	_ =	shalt  }
0x64: {  	_ =	shalt  }
0x65: {  	_ =	shalt  }
0x66: {  	_ =	shalt  }
0x67: {  	_ =	shalt  }
0x68: {  	_ =	shalt  }
0x69: {  	_ =	shalt  }
0x6a: {  	_ =	shalt  }
0x6b: {  	_ =	shalt  }
0x6c: {  	_ =	shalt  }
0x6d: {  	_ =	shalt  }
0x6e: {  	_ =	shalt  }
0x6f: {  	_ =	shalt  }
0x70: {  	_ =	shalt  }
0x71: {  	_ =	shalt  }
0x72: {  	_ =	shalt  }
0x73: {  	_ =	shalt  }
0x74: {  	_ =	shalt  }
0x75: {  	_ =	shalt  }
0x76: {  	_ =	shalt  }
0x77: {  	_ =	shalt  }
0x78: {  	_ =	shalt  }
0x79: {  	_ =	shalt  }
0x7a: {  	_ =	shalt  }
0x7b: {  	_ =	shalt  }
0x7c: {  	_ =	shalt  }
0x7d: {  	_ =	shalt  }
0x7e: {  	_ =	shalt  }
0x7f: {  	_ =	shalt  }
0x80: {  	_ =	shalt  }
0x81: {  	_ =	shalt  }
0x82: {  	_ =	shalt  }
0x83: {  	_ =	shalt  }
0x84: {  	_ =	shalt  }
0x85: {  	_ =	shalt  }
0x86: {  	_ =	shalt  }
0x87: {  	_ =	shalt  }
.Lfunc_end0:
.L_simem_size_0:
called_computation.1_lowered:
.L_overlay_start_0:
0x88: {  	s2 =	sld [smem:$0x3FD9]  }
0x89: {  	s3 =	sld [smem:$0x3FFE];
	_ =	sdelay $0x1  }
0x8a: {  	s1 =	srdreg.scid  }
0x8b: {  	s0 =	sand.u32 $0x1, s1  }
0x8c: {  	s16 =	sshll.u32 s0, $0xA;
	s2 =	sadd.s32 s3, s2  }
0x8d: {  	s2 =	sadd.s32 s2, s16  }
0x8e: {  	[smem:$0x3FBD] =	sst s2  }
0x8f: {  	_ = 	snop  }
0x90: {  	(tm) =	ssettm $0x1  }
0x91: {  	s17 =	sld [smem:$0x3FFB];
	_ =	sdelay $0x3  }
0x92: {  	_ =	strace s17  }
0x93: {  	s2 =	sld [smem:$0x3FFC];
	_ =	sdelay $0x3  }
0x94: {  	_ =	strace s2  }
0x95: {  	s2 =	sld [smem:$0x3FFD];
	_ =	sdelay $0x3  }
0x96: {  	_ =	strace s2  }
0x97: {  	_ =	strace $0x8FFFFFFF  }
0x98: {  	s18 =	sld [smem:$0x3FDB];
	_ =	sdelay $0x1  }
0x99: {  	s19 =	simm.s32 $_scs_section_size  }
0x9a: {  	s4 =	simm.s32 $_size__tile_overlayer_lowered;
	s5 =	simm.s32 $_tile_overlayer_lowered  }
0x9b: {  	s22 =	simm.s32 $0x1BFF;
	s21 =	sshll.u32 s5, $0x1;
	s2 =	sadd.s32 s19, s18  }
0x9c: {  	s6 =	simm.s32 $0x0;
	s20 =	sshll.u32 s4, $0x1;
	s4 =	sadd.s32 s21, s2  }
0x9d: {  	[timem:s6], [sflag:s22] =	dma.local [hbm:s4], s20  }
0x9e: {  	_ =	swait.ge [sflag:s22], s20  }
0x9f: {  	s3 =	ssub.s32 $0x0, s20;
	[sflag:s22] =	ssyncset.done $0x0  }
0xa0: {  	[sflag:s22] =	ssyncadd.s32 s3;
	_ =	sdelay $0x1  }
0xa1: {  	s23 =	simm.s32 $0x1B8B  }
0xa2: {  	_ =	swait.ge [sflag:s23], $0x1  }
0xa3: {  	[sflag:s23] =	ssyncset.done $0x0  }
0xa4: {  	s25 =	simm.s32 $0x1B8E;
	s24 =	sld [smem:$0x3FFE];
	[sflag:s23] =	ssyncadd.s32 $0xFFFFFFFF  }
0xa5: {  	s26 =	simm.s32 $execute0_lowered;
	[smem:$0x3FD2] =	sst s25  }
0xa6: {  	s4 =	sshll.u32 s26, $0x1;
	_ =	strace $0x80000049;
	[dreg:$0x1] =	wrdreg $0xFFFFFFFF  }
0xa7: {  	s28 =	simm.s32 $_size_execute0_lowered;
	s2 =	sadd.s32 s2, s4;
	[dreg:$0x0] =	wrdreg $0x0  }
0xa8: {  	s4 =	sshll.u32 s28, $0x1;
	[dreg:$0x2] =	wrdreg s2  }
0xa9: {  	[dreg:$0x3] =	wrdreg s4  }
0xaa: {  	[dreg:$0x4] =	wrdreg $0xC0  }
0xab: {  	_ =	task [dreg:s6], $0x5FFFF  }
0xac: {  	[dreg:$0x1] =	wrdreg $0xFFFFFFFF  }
0xad: {  	[dreg:$0x0] =	wrdreg $0x60  }
0xae: {  	[dreg:$0x2] =	wrdreg s24  }
0xaf: {  	[dreg:$0x3] =	wrdreg $0x90000  }
0xb0: {  	[dreg:$0x4] =	wrdreg $0x9  }
0xb1: {  	_ =	task.clear_ibuf [dreg:s6], $0x5FFFF;
	_ =	strace $0x90000049  }
0xb2: {  	s29 =	simm.s32 $0x9;
	_ =	strace $0x8000004B  }
0xb3: {  	_ =	swait.ge [sflag:s29], $0x1  }
0xb4: {  	[sflag:s29] =	ssyncadd.s32 $0xFFFFFFFF  }
0xb5: {  	_ =	strace $0x9000004B  }
0xb6: {  	_ =	sfence  }
0xb7: {  	s30 =	sld [smem:$0x0];
	_ =	sdelay $0x2  }
0xb8: {  	s31 =	sshll.u32 s1, $0xD;
	s1 =	sshrl.u32 s1, $0x2  }
0xb9: {  	s3 =	sand.u32 $0x4000, s31;
	s1 =	sadd.s32 s1, s30  }
0xba: {  	s0 =	sor.u32 s3, s0;
	s1 =	sshll.u32 s1, $0x11  }
0xbb: {  	s0 =	sor.u32 s1, s0  }
0xbc: {  	s0 =	sadd.s32 $0x8F2B, s0  }
0xbd: {  	[sflag:s0] =	ssyncadd.remote.s32 $0x1  }
0xbe: {  	_ =	sfence.sel $0xFFFF  }
0xbf: {  	[dreg:$0x0] =	wrdreg $0xFFFFFFFF;
	(pc) =	sbr.abs _section_cstart, $3  }
0xc0: {  	[dreg:$0x1] =	wrdreg $0xFFFFFFFF  }
0xc1: {  	_ =	task.clear_ibuf [dreg:s6], $0x2FFFF;
	_ =	strace $0x9FFFFFFF  }
0xc2: {  	(tm) =	ssettm $0x7FFFFFFF  }
0xc3: {  	_ =	shalt  }
tec
execute0_lowered:
.L_overlay_start_1:
0x0: {  	(tag) =	ssettag $0x1  }
0x1: {  	s0 =	srdreg.scid;
	s6 =	rddreg [dreg:$0x0]  }
0x2: {  	s2 =	rddreg [dreg:$0x1];
	s3 =	simm.s32 $0x0;
	s14 =	simm.s32 $0x80  }
0x3: {  	s15 =	simm.s32 $0x5000;
	s5 =	sand.u32 $0x1, s0;
	s0 =	stileid.u32  }
0x4: {  	s16 =	simm.s32 $0x1;
	s17 =	simm.s32 $0x0;
	s8 =	smul.u32 $0x13C00, s0  }
0x5: {  	[smem:$0x7FF] =	sst s3;
	s1 =	sshll.u32 s5, $0x4;
	s9 =	smul.u32 $0x13C000, s5  }
0x6: {  	s5 =	ssub.s32 $0x2, s5;
	s29 =	smul.u32 $0x4F000, s0;
	s31 =	sshll.u32 s0, $0x6  }
0x7: {  	s4 =	sor.u32 s0, s1;
	s1 =	rddreg [dreg:$0x2];
	_ =	strace $0x8000004A  }
0x8: {  	s11 =	sshrl.u32 s5, $0x1;
	s7 =	smul.u32 $0x500, s4;
	s4 =	sadd.s32 $0x16A00, s6  }
0x9: {  	s28 =	sshrl.u32 s8, $0x3;
	s8 =	sadd.s32 s8, s9;
	s30 =	sshrl.u32 s29, $0x2  }
0xa: {  	s11 =	ssub.s32 s5, s11;
	s8 =	sshrl.u32 s8, $0x3;
	s13 =	sadd.s32 s30, s2  }
0xb: {  	s10 =	sadd.s32 s7, s6;
	s7 =	sadd.s32 s28, s6;
	s12 =	sadd.s32 s8, s6  }
0xc: {  	s6 =	sor.u32 $0x1C02, s31;
	s5 =	sadd.s32 $0x3E200, s7;
	s7 =	sadd.s32 $0x2A00, s10  }
0xd: {  	s8 =	sadd.s32 $0xCA00, s10;
	s9 =	sadd.s32 $0x65A00, s12;
	s10 =	smax.u32 s11, $0x1  }
0xe: {  	s11 =	sshrl.u32 s13, $0x3;
	s12 =	simm.s32 $0x2;
	s13 =	simm.s32 $0x2800  }
.LBB2_1:
0xf: {  	[spmem:s11], [sflag:s6] =	dma.local [hbm:s5], $0x2780  }
0x10: {  	_ =	swait.ge [sflag:s12], $0x2780  }
0x11: {  	[sflag:s12] =	ssyncset.done $0x0  }
0x12: {  	[sflag:s12] =	ssyncadd.s32 $0xFFFFD880  }
0x13: {  	[tilespmem:s3], [sflag:$0x2] =	stream.linear.gather [hbm4b:s7+s3], $0x2800, $0x38;
	[tilespmem:$0x1CC00] =	vst v63  }
0x14: {  	_ =	swait.ge [sflag:s12], $0x2800  }
0x15: {  	[sflag:s12] =	ssyncset.done $0x0  }
0x16: {  	[sflag:s12] =	ssyncadd.s32 $0xFFFFD800  }
0x17: {  	[tilespmem:s13], [sflag:$0x2] =	stream.linear.gather [hbm4b:s8+s3], $0x2800, $0x38;
	[tilespmem:$0x1CC00] =	vst v63  }
0x18: {  	_ =	swait.ge [sflag:s12], $0x2800  }
0x19: {  	[sflag:s12] =	ssyncset.done $0x0  }
0x1a: {  	[sflag:s12] =	ssyncadd.s32 $0xFFFFD800  }
0x1b: {  	s18 =	simm.s32 $0x0;
	[bflag:$0x0] =	sbarrier.arrive $0xFFFF  }
0x1c: {  	[tilespmem:s15], [sflag:$0x1] =	stream.indirect.gather [hbm4b:s4+s14], $0x80, s18, s14, $0xb8;
	[tilespmem:$0x1CC00] =	vst v63  }
0x1d: {  	_ =	swait.ge [sflag:s16], $0x4000  }
0x1e: {  	[sflag:s16] =	ssyncset.done $0x0  }
0x1f: {  	s31 =	simm.s32 $0x2800;
	[sflag:s16] =	ssyncadd.s32 $0xFFFFC000  }
0x20: {  	[spmem:s2] =	stream.indirect.scatter.add.f32 [tilespmem:s15], [sflag:$0x2], $0x80, s31, s14, $0xb8;
	[tilespmem:$0x1CC00] =	vst v63  }
0x21: {  	_ =	swait.ge [sflag:s12], $0x4000  }
0x22: {  	s19 =	simm.s32 $0x400;
	s18 =	simm.s32 $0x200;
	[sflag:s12] =	ssyncset.done $0x0  }
.LBB2_2:
0x23: {  	s20 =	sshra.s32 s18, $0x2  }
0x24: {  	[sflag:s12] =	ssyncadd.s32 $0xFFFFC000;
	s18 =	smov.u32 s19;
	s21 =	sadd.s32 $0x200, s19  }
0x25: {  	[tilespmem:s15], [sflag:$0x1] =	stream.indirect.gather [hbm4b:s4+s14], $0x80, s20, s14, $0xb8;
	[tilespmem:$0x1CC00] =	vst v63  }
0x26: {  	p0 =	sne.s32 s19, $0x9E00;
	_ =	swait.ge [sflag:s16], $0x4000  }
.Ltmp0:
0x27: {  	[sflag:s16] =	ssyncset.done $0x0;
	(pc) =	sbr.rel @p0 .LBB2_2-.Ltmp0, $4  }
0x28: {  	s19 =	sadd.s32 $0x2800, s20;
	[sflag:s16] =	ssyncadd.s32 $0xFFFFC000  }
0x29: {  	[spmem:s2] =	stream.indirect.scatter.add.f32 [tilespmem:s15], [sflag:$0x2], $0x80, s19, s14, $0xb8;
	[tilespmem:$0x1CC00] =	vst v63  }
0x2a: {  	_ =	swait.ge [sflag:s12], $0x4000  }
0x2b: {  	s19 =	smov.u32 s21;
	[sflag:s12] =	ssyncset.done $0x0  }
0x2c: {  	s18 =	sshra.s32 s18, $0x2;
	[sflag:s12] =	ssyncadd.s32 $0xFFFFC000  }
0x2d: {  	[tilespmem:s15], [sflag:$0x1] =	stream.indirect.gather [hbm4b:s4+s14], $0x80, s18, s14, $0xb8;
	[tilespmem:$0x1CC00] =	vst v63  }
0x2e: {  	_ =	swait.ge [sflag:s16], $0x4000  }
0x2f: {  	[sflag:s16] =	ssyncset.done $0x0  }
0x30: {  	s18 =	sadd.s32 $0x2800, s18;
	[sflag:s16] =	ssyncadd.s32 $0xFFFFC000  }
0x31: {  	[spmem:s2] =	stream.indirect.scatter.add.f32 [tilespmem:s15], [sflag:$0x2], $0x80, s18, s14, $0xb8;
	[tilespmem:$0x1CC00] =	vst v63  }
0x32: {  	_ =	swait.ge [sflag:s12], $0x4000  }
0x33: {  	s17 =	sadd.s32 $0x1, s17;
	[sflag:s12] =	ssyncset.done $0x0  }
0x34: {  	p0 =	sne.s32 s17, s10;
	[sflag:s12] =	ssyncadd.s32 $0xFFFFC000  }
.Ltmp1:
0x35: {  	[bflag:$0x0] =	sbarrier.arrive $0xFFFF;
	(pc) =	sbr.rel @p0 .LBB2_1-.Ltmp1, $4  }
0x36: {  	[hbm:s9], [sflag:s6] =	dma.local [spmem:s11], $0x2780  }
0x37: {  	_ =	swait.ge [sflag:s12], $0x2780  }
0x38: {  	[sflag:s12] =	ssyncset.done $0x0  }
0x39: {  	[sflag:s12] =	ssyncadd.s32 $0xFFFFD880  }
0x3a: {  	_ =	sfence.sel $0x180000  }
0x3b: {  	[bflag:$0x0] =	sbarrier.arrive $0xFFFF  }
0x3c: {  	p0 =	sne.s32 s0, $0x0;
	_ =	strace $0x9000004A  }
0x3d: {  	s0 =	sadd.s32 @!p0 $0x100000, s1;
	[bflag:$0x2] =	sbarrier.arrive $0xFFFF  }
0x3e: {  	[sflag:s0] =	ssyncadd.tile.s32 @!p0 $0x1;
	_ =	shalt  }
.Lfunc_end2:
_tile_overlayer_lowered:
.L_overlay_start_2:
0x3f: {  	(tag) =	ssettag $0x2  }
0x40: {  	s0 =	rddreg [dreg:$0x0];
	s2 =	stileid.u32  }
0x41: {  	s1 =	rddreg [dreg:$0x1];
	p0 =	sne.s32 s2, $0x0  }
0x42: {  	s3 =	rddreg [dreg:$0x2];
	[bflag:$0x3] =	sbarrier.arrive $0xFFFF;
	s2 =	simm.s32 @!p0 $0x1C02  }
0x43: {  	[timem:s3], [sflag:s2] =	dma.local @!p0 [hbm:s0], s1  }
0x44: {  	s0 =	simm.s32 @!p0 $0x2  }
0x45: {  	_ =	swait.ge @!p0 [sflag:s0], s1  }
0x46: {  	s1 =	ssub.s32 @!p0 $0x0, s1;
	[sflag:s0] =	ssyncset.done @!p0 $0x0  }
0x47: {  	[sflag:s0] =	ssyncadd.s32 @!p0 s1  }
0x48: {  	[bflag:$0x3] =	sbarrier.arrive $0xFFFF  }
0x49: {  	_ =	shalt  }

// kernel: kernel.14.cloned.1.call-start
scs
__scs_entry_jumppad:
0x0: {  	(pc) =	sbr.rel $0x88, $3  }
0x1: {  	(tag) =	ssettag $0x0;
	lr =	simm.s32 $0x1  }
0x2: {  	[smem:$0x3F96] =	sst lr;
	_ =	strace $0xD0000000  }
0x3: {  	_ = 	snop  }
0x4: {  	_ = 	snop  }
0x5: {  	_ = 	snop  }
0x6: {  	_ = 	snop  }
0x7: {  	_ = 	snop  }
__scs_overlays_trampoline_lowered:
0x8: {  	[smem:$0x3FA5] =	sst s0  }
0x9: {  	[smem:$0x3FA6] =	sst s1  }
0xa: {  	[smem:$0x3FA7] =	sst s2  }
0xb: {  	[smem:$0x3FA8] =	sst s3  }
0xc: {  	[smem:$0x3FA9] =	sst s4  }
0xd: {  	[smem:$0x3FAA] =	sst s5  }
0xe: {  	[smem:$0x3FAB] =	sst s6  }
0xf: {  	[smem:$0x3FAC] =	sst s7  }
0x10: {  	[smem:$0x3FAD] =	sst s8  }
0x11: {  	[smem:$0x3FAE] =	sst s9;
	s0 =	simm.s32 @!p0 $0x0  }
0x12: {  	s1 =	sld [smem:$0x3F94];
	s0 =	simm.s32 @p0 $0x1  }
0x13: {  	[smem:$0x3FAF] =	sst s0;
	s0 =	simm.s32 @!p1 $0x0  }
0x14: {  	s2 =	sld [smem:$0x3F93];
	s0 =	simm.s32 @p1 $0x1  }
0x15: {  	[smem:$0x3FB0] =	sst s0;
	s0 =	simm.s32 @!p2 $0x0  }
0x16: {  	s3 =	sld [smem:$0x3FDB];
	s0 =	simm.s32 @p2 $0x1  }
0x17: {  	s4 =	simm.s32 $0x1BF5;
	[smem:$0x3FB2] =	sst s0  }
0x18: {  	s0 =	sld [smem:$0x3F95];
	_ =	swait.ge [sflag:s4], $0x0  }
0x19: {  	s7 =	sld [smem:$0x3F96]  }
0x1a: {  	s8 =	sadd.s32 $0xFFFFE003, lr  }
0x1b: {  	s9 =	sadd.s32 $0xFFFFFEF7, lr;
	s5 =	simm.s32 $0xFFFFFFFF;
	p2 =	slt.u32 s8, $0xFFFFF086  }
0x1c: {  	p1 =	slt.u32 s9, $0xF7A;
	s5 =	simm.s32 @!p2 $0x0  }
0x1d: {  	s5 =	simm.s32 @p1 $0x1;
	p0 =	seq.s32 s7, s2  }
0x1e: {  	s7 =	smul.u32 @!p0 $0xF7A, s2;
	p2 =	seq.s32 @!p0 s5, $0x0  }
0x1f: {  	s9 =	smul.u32 $0xF7A, s1;
	s8 =	simm.s32 @!p0 $0x1BF5;
	p2 =	por !p2, p0  }
0x20: {  	[sflag:s8] =	ssyncset.s32 @!p0 $0xFFFFF086;
	s6 =	sadd.s32 @!p0 s3, s7;
	s7 =	simm.s32 @!p0 $0x108  }
0x21: {  	s3 =	sadd.s32 s3, s9;
	s6 =	sadd.s32 @!p0 $0x88, s6;
	s7 =	simm.s32 @p2 $0x1082  }
0x22: {  	[simem:s7], [sflag:s8] =	dma.local @!p0 [hbm:s6], $0xF7A  }
0x23: {  	s9 =	sor.u32 $0xD0000000, s2;
	s6 =	simm.s32 $0x108;
	_ =	swait.ge @!p0 [sflag:s8], $0x0  }
0x24: {  	s3 =	sadd.s32 $0x88, s3;
	s6 =	simm.s32 @!p1 $0x1082;
	[sflag:s4] =	ssyncset.s32 $0xFFFFF086  }
0x25: {  	[simem:s6], [sflag:s4] =	dma.local [hbm:s3], $0xF7A  }
0x26: {  	[smem:$0x3F96] =	sst s1;
	(tag) =	ssettag s2;
	_ =	strace s9  }
0x27: {  	s1 =	sld [smem:$0x3FA6]  }
0x28: {  	s2 =	sld [smem:$0x3FA7]  }
0x29: {  	s4 =	sld [smem:$0x3FA9]  }
0x2a: {  	p0 =	seq.s32 s5, $0x0;
	s5 =	sld [smem:$0x3FAA]  }
0x2b: {  	s6 =	sld [smem:$0x3FAB]  }
0x2c: {  	s7 =	sld [smem:$0x3FAC]  }
0x2d: {  	s3 =	simm.s32 $0x108;
	s8 =	sld [smem:$0x3FAD]  }
0x2e: {  	s3 =	simm.s32 @!p0 $0x1082;
	s9 =	sld [smem:$0x3FAE]  }
0x2f: {  	lr =	sadd.s32 s0, s3;
	s0 =	sld [smem:$0x3FA5]  }
0x30: {  	s3 =	sld [smem:$0x3FA8]  }
0x31: {  	[smem:$0x3FB1] =	sst s10  }
0x32: {  	s10 =	sld [smem:$0x3FAF];
	_ =	sdelay $0x3  }
0x33: {  	p0 =	seq.s32 s10, $0x1;
	s10 =	sld [smem:$0x3FB1];
	_ =	sdelay $0x3  }
0x34: {  	[smem:$0x3FB1] =	sst s10  }
0x35: {  	s10 =	sld [smem:$0x3FB0];
	_ =	sdelay $0x3  }
0x36: {  	p1 =	seq.s32 s10, $0x1;
	s10 =	sld [smem:$0x3FB1];
	_ =	sdelay $0x3  }
0x37: {  	[smem:$0x3FB1] =	sst s10  }
0x38: {  	s10 =	sld [smem:$0x3FB2]  }
0x39: {  	_ = 	snop;
	(pc) =	sbr.ind lr, $3  }
0x3a: {  	_ = 	snop  }
0x3b: {  	_ = 	snop  }
0x3c: {  	p2 =	seq.s32 s10, $0x1;
	s10 =	sld [smem:$0x3FB1]  }
0x3d: {  	_ =	shalt  }
0x3e: {  	_ =	shalt  }
0x3f: {  	_ =	shalt  }
0x40: {  	_ =	shalt  }
0x41: {  	_ =	shalt  }
0x42: {  	_ =	shalt  }
0x43: {  	_ =	shalt  }
0x44: {  	_ =	shalt  }
0x45: {  	_ =	shalt  }
0x46: {  	_ =	shalt  }
0x47: {  	_ =	shalt  }
0x48: {  	_ =	shalt  }
0x49: {  	_ =	shalt  }
0x4a: {  	_ =	shalt  }
0x4b: {  	_ =	shalt  }
0x4c: {  	_ =	shalt  }
0x4d: {  	_ =	shalt  }
0x4e: {  	_ =	shalt  }
0x4f: {  	_ =	shalt  }
0x50: {  	_ =	shalt  }
0x51: {  	_ =	shalt  }
0x52: {  	_ =	shalt  }
0x53: {  	_ =	shalt  }
0x54: {  	_ =	shalt  }
0x55: {  	_ =	shalt  }
0x56: {  	_ =	shalt  }
0x57: {  	_ =	shalt  }
0x58: {  	_ =	shalt  }
0x59: {  	_ =	shalt  }
0x5a: {  	_ =	shalt  }
0x5b: {  	_ =	shalt  }
0x5c: {  	_ =	shalt  }
0x5d: {  	_ =	shalt  }
0x5e: {  	_ =	shalt  }
0x5f: {  	_ =	shalt  }
0x60: {  	_ =	shalt  }
0x61: {  	_ =	shalt  }
0x62: {  	_ =	shalt  }
0x63: {  	_ =	shalt  }
0x64: {  	_ =	shalt  }
0x65: {  	_ =	shalt  }
0x66: {  	_ =	shalt  }
0x67: {  	_ =	shalt  }
0x68: {  	_ =	shalt  }
0x69: {  	_ =	shalt  }
0x6a: {  	_ =	shalt  }
0x6b: {  	_ =	shalt  }
0x6c: {  	_ =	shalt  }
0x6d: {  	_ =	shalt  }
0x6e: {  	_ =	shalt  }
0x6f: {  	_ =	shalt  }
0x70: {  	_ =	shalt  }
0x71: {  	_ =	shalt  }
0x72: {  	_ =	shalt  }
0x73: {  	_ =	shalt  }
0x74: {  	_ =	shalt  }
0x75: {  	_ =	shalt  }
0x76: {  	_ =	shalt  }
0x77: {  	_ =	shalt  }
0x78: {  	_ =	shalt  }
0x79: {  	_ =	shalt  }
0x7a: {  	_ =	shalt  }
0x7b: {  	_ =	shalt  }
0x7c: {  	_ =	shalt  }
0x7d: {  	_ =	shalt  }
0x7e: {  	_ =	shalt  }
0x7f: {  	_ =	shalt  }
0x80: {  	_ =	shalt  }
0x81: {  	_ =	shalt  }
0x82: {  	_ =	shalt  }
0x83: {  	_ =	shalt  }
0x84: {  	_ =	shalt  }
0x85: {  	_ =	shalt  }
0x86: {  	_ =	shalt  }
0x87: {  	_ =	shalt  }
.Lfunc_end0:
.L_simem_size_0:
called_computation.2_lowered:
.L_overlay_start_0:
0x88: {  	s2 =	sld [smem:$0x3FD9]  }
0x89: {  	s3 =	sld [smem:$0x3FFE];
	_ =	sdelay $0x1  }
0x8a: {  	s1 =	srdreg.scid  }
0x8b: {  	s0 =	sand.u32 $0x1, s1  }
0x8c: {  	s16 =	sshll.u32 s0, $0xA;
	s2 =	sadd.s32 s3, s2  }
0x8d: {  	s2 =	sadd.s32 s2, s16  }
0x8e: {  	[smem:$0x3FBD] =	sst s2  }
0x8f: {  	_ = 	snop  }
0x90: {  	(tm) =	ssettm $0x1  }
0x91: {  	s17 =	sld [smem:$0x3FFB];
	_ =	sdelay $0x3  }
0x92: {  	_ =	strace s17  }
0x93: {  	s2 =	sld [smem:$0x3FFC];
	_ =	sdelay $0x3  }
0x94: {  	_ =	strace s2  }
0x95: {  	s2 =	sld [smem:$0x3FFD];
	_ =	sdelay $0x3  }
0x96: {  	_ =	strace s2  }
0x97: {  	_ =	strace $0x8FFFFFFF  }
0x98: {  	s18 =	sld [smem:$0x3FDB];
	_ =	sdelay $0x1  }
0x99: {  	s19 =	simm.s32 $_scs_section_size  }
0x9a: {  	s4 =	simm.s32 $_size__tile_overlayer_lowered;
	s5 =	simm.s32 $_tile_overlayer_lowered  }
0x9b: {  	s22 =	simm.s32 $0x1BFF;
	s21 =	sshll.u32 s5, $0x1;
	s2 =	sadd.s32 s19, s18  }
0x9c: {  	s6 =	simm.s32 $0x0;
	s20 =	sshll.u32 s4, $0x1;
	s4 =	sadd.s32 s21, s2  }
0x9d: {  	[timem:s6], [sflag:s22] =	dma.local [hbm:s4], s20  }
0x9e: {  	_ =	swait.ge [sflag:s22], s20  }
0x9f: {  	s3 =	ssub.s32 $0x0, s20;
	[sflag:s22] =	ssyncset.done $0x0  }
0xa0: {  	[sflag:s22] =	ssyncadd.s32 s3;
	_ =	sdelay $0x1  }
0xa1: {  	s23 =	simm.s32 $0x1B8B  }
0xa2: {  	_ =	swait.ge [sflag:s23], $0x1  }
0xa3: {  	[sflag:s23] =	ssyncset.done $0x0  }
0xa4: {  	s25 =	simm.s32 $0x1B8E;
	s24 =	sld [smem:$0x3FFE];
	[sflag:s23] =	ssyncadd.s32 $0xFFFFFFFF  }
0xa5: {  	s26 =	simm.s32 $execute0_lowered;
	[smem:$0x3FD2] =	sst s25  }
0xa6: {  	s4 =	sshll.u32 s26, $0x1;
	_ =	strace $0x8000004C;
	[dreg:$0x1] =	wrdreg $0xFFFFFFFF  }
0xa7: {  	s28 =	simm.s32 $_size_execute0_lowered;
	s2 =	sadd.s32 s2, s4;
	[dreg:$0x0] =	wrdreg $0x0  }
0xa8: {  	s4 =	sshll.u32 s28, $0x1;
	[dreg:$0x2] =	wrdreg s2  }
0xa9: {  	[dreg:$0x3] =	wrdreg s4  }
0xaa: {  	[dreg:$0x4] =	wrdreg $0xC0  }
0xab: {  	_ =	task [dreg:s6], $0x5FFFF  }
0xac: {  	[dreg:$0x1] =	wrdreg $0xFFFFFFFF  }
0xad: {  	[dreg:$0x0] =	wrdreg $0x60  }
0xae: {  	[dreg:$0x2] =	wrdreg s24  }
0xaf: {  	[dreg:$0x3] =	wrdreg $0x90000  }
0xb0: {  	[dreg:$0x4] =	wrdreg $0x9  }
0xb1: {  	_ =	task.clear_ibuf [dreg:s6], $0x5FFFF;
	_ =	strace $0x9000004C  }
0xb2: {  	s29 =	simm.s32 $0x9;
	_ =	strace $0x8000004E  }
0xb3: {  	_ =	swait.ge [sflag:s29], $0x1  }
0xb4: {  	[sflag:s29] =	ssyncadd.s32 $0xFFFFFFFF  }
0xb5: {  	_ =	strace $0x9000004E  }
0xb6: {  	_ =	sfence  }
0xb7: {  	s30 =	sld [smem:$0x0];
	_ =	sdelay $0x2  }
0xb8: {  	s31 =	sshll.u32 s1, $0xD;
	s1 =	sshrl.u32 s1, $0x2  }
0xb9: {  	s3 =	sand.u32 $0x4000, s31;
	s1 =	sadd.s32 s1, s30  }
0xba: {  	s0 =	sor.u32 s3, s0;
	s1 =	sshll.u32 s1, $0x11  }
0xbb: {  	s0 =	sor.u32 s1, s0  }
0xbc: {  	s0 =	sadd.s32 $0x8F2B, s0  }
0xbd: {  	[sflag:s0] =	ssyncadd.remote.s32 $0x1  }
0xbe: {  	_ =	sfence.sel $0xFFFF  }
0xbf: {  	[dreg:$0x0] =	wrdreg $0xFFFFFFFF;
	(pc) =	sbr.abs _section_cstart, $3  }
0xc0: {  	[dreg:$0x1] =	wrdreg $0xFFFFFFFF  }
0xc1: {  	_ =	task.clear_ibuf [dreg:s6], $0x2FFFF;
	_ =	strace $0x9FFFFFFF  }
0xc2: {  	(tm) =	ssettm $0x7FFFFFFF  }
0xc3: {  	_ =	shalt  }
tec
execute0_lowered:
.L_overlay_start_1:
0x0: {  	(tag) =	ssettag $0x1  }
0x1: {  	s0 =	srdreg.scid;
	s6 =	rddreg [dreg:$0x0]  }
0x2: {  	s2 =	rddreg [dreg:$0x1];
	s3 =	simm.s32 $0x0;
	s14 =	simm.s32 $0x80  }
0x3: {  	s15 =	simm.s32 $0x5000;
	s5 =	sand.u32 $0x1, s0;
	s0 =	stileid.u32  }
0x4: {  	s16 =	simm.s32 $0x1;
	s17 =	simm.s32 $0x0;
	s8 =	smul.u32 $0x13C00, s0  }
0x5: {  	[smem:$0x7FF] =	sst s3;
	s1 =	sshll.u32 s5, $0x4;
	s9 =	smul.u32 $0x13C000, s5  }
0x6: {  	s5 =	ssub.s32 $0x2, s5;
	s29 =	smul.u32 $0x4F000, s0;
	s31 =	sshll.u32 s0, $0x6  }
0x7: {  	s4 =	sor.u32 s0, s1;
	s1 =	rddreg [dreg:$0x2];
	_ =	strace $0x8000004D  }
0x8: {  	s11 =	sshrl.u32 s5, $0x1;
	s7 =	smul.u32 $0x500, s4;
	s4 =	sadd.s32 $0x16A00, s6  }
0x9: {  	s28 =	sshrl.u32 s8, $0x3;
	s8 =	sadd.s32 s8, s9;
	s30 =	sshrl.u32 s29, $0x2  }
0xa: {  	s11 =	ssub.s32 s5, s11;
	s8 =	sshrl.u32 s8, $0x3;
	s13 =	sadd.s32 s30, s2  }
0xb: {  	s10 =	sadd.s32 s7, s6;
	s7 =	sadd.s32 s28, s6;
	s12 =	sadd.s32 s8, s6  }
0xc: {  	s6 =	sor.u32 $0x1C02, s31;
	s5 =	sadd.s32 $0x3E200, s7;
	s7 =	sadd.s32 $0x2A00, s10  }
0xd: {  	s8 =	sadd.s32 $0xCA00, s10;
	s9 =	sadd.s32 $0x65A00, s12;
	s10 =	smax.u32 s11, $0x1  }
0xe: {  	s11 =	sshrl.u32 s13, $0x3;
	s12 =	simm.s32 $0x2;
	s13 =	simm.s32 $0x2800  }
.LBB2_1:
0xf: {  	[spmem:s11], [sflag:s6] =	dma.local [hbm:s5], $0x2780  }
0x10: {  	_ =	swait.ge [sflag:s12], $0x2780  }
0x11: {  	[sflag:s12] =	ssyncset.done $0x0  }
0x12: {  	[sflag:s12] =	ssyncadd.s32 $0xFFFFD880  }
0x13: {  	[tilespmem:s3], [sflag:$0x2] =	stream.linear.gather [hbm4b:s7+s3], $0x2800, $0x38;
	[tilespmem:$0x1CC00] =	vst v63  }
0x14: {  	_ =	swait.ge [sflag:s12], $0x2800  }
0x15: {  	[sflag:s12] =	ssyncset.done $0x0  }
0x16: {  	[sflag:s12] =	ssyncadd.s32 $0xFFFFD800  }
0x17: {  	[tilespmem:s13], [sflag:$0x2] =	stream.linear.gather [hbm4b:s8+s3], $0x2800, $0x38;
	[tilespmem:$0x1CC00] =	vst v63  }
0x18: {  	_ =	swait.ge [sflag:s12], $0x2800  }
0x19: {  	[sflag:s12] =	ssyncset.done $0x0  }
0x1a: {  	[sflag:s12] =	ssyncadd.s32 $0xFFFFD800  }
0x1b: {  	s18 =	simm.s32 $0x0;
	[bflag:$0x0] =	sbarrier.arrive $0xFFFF  }
0x1c: {  	[tilespmem:s15], [sflag:$0x1] =	stream.indirect.gather [hbm4b:s4+s14], $0x80, s18, s14, $0xb8;
	[tilespmem:$0x1CC00] =	vst v63  }
0x1d: {  	_ =	swait.ge [sflag:s16], $0x4000  }
0x1e: {  	[sflag:s16] =	ssyncset.done $0x0  }
0x1f: {  	s31 =	simm.s32 $0x2800;
	[sflag:s16] =	ssyncadd.s32 $0xFFFFC000  }
0x20: {  	[spmem:s2] =	stream.indirect.scatter.add.f32 [tilespmem:s15], [sflag:$0x2], $0x80, s31, s14, $0xb8;
	[tilespmem:$0x1CC00] =	vst v63  }
0x21: {  	_ =	swait.ge [sflag:s12], $0x4000  }
0x22: {  	s19 =	simm.s32 $0x400;
	s18 =	simm.s32 $0x200;
	[sflag:s12] =	ssyncset.done $0x0  }
.LBB2_2:
0x23: {  	s20 =	sshra.s32 s18, $0x2  }
0x24: {  	[sflag:s12] =	ssyncadd.s32 $0xFFFFC000;
	s18 =	smov.u32 s19;
	s21 =	sadd.s32 $0x200, s19  }
0x25: {  	[tilespmem:s15], [sflag:$0x1] =	stream.indirect.gather [hbm4b:s4+s14], $0x80, s20, s14, $0xb8;
	[tilespmem:$0x1CC00] =	vst v63  }
0x26: {  	p0 =	sne.s32 s19, $0x9E00;
	_ =	swait.ge [sflag:s16], $0x4000  }
.Ltmp0:
0x27: {  	[sflag:s16] =	ssyncset.done $0x0;
	(pc) =	sbr.rel @p0 .LBB2_2-.Ltmp0, $4  }
0x28: {  	s19 =	sadd.s32 $0x2800, s20;
	[sflag:s16] =	ssyncadd.s32 $0xFFFFC000  }
0x29: {  	[spmem:s2] =	stream.indirect.scatter.add.f32 [tilespmem:s15], [sflag:$0x2], $0x80, s19, s14, $0xb8;
	[tilespmem:$0x1CC00] =	vst v63  }
0x2a: {  	_ =	swait.ge [sflag:s12], $0x4000  }
0x2b: {  	s19 =	smov.u32 s21;
	[sflag:s12] =	ssyncset.done $0x0  }
0x2c: {  	s18 =	sshra.s32 s18, $0x2;
	[sflag:s12] =	ssyncadd.s32 $0xFFFFC000  }
0x2d: {  	[tilespmem:s15], [sflag:$0x1] =	stream.indirect.gather [hbm4b:s4+s14], $0x80, s18, s14, $0xb8;
	[tilespmem:$0x1CC00] =	vst v63  }
0x2e: {  	_ =	swait.ge [sflag:s16], $0x4000  }
0x2f: {  	[sflag:s16] =	ssyncset.done $0x0  }
0x30: {  	s18 =	sadd.s32 $0x2800, s18;
	[sflag:s16] =	ssyncadd.s32 $0xFFFFC000  }
0x31: {  	[spmem:s2] =	stream.indirect.scatter.add.f32 [tilespmem:s15], [sflag:$0x2], $0x80, s18, s14, $0xb8;
	[tilespmem:$0x1CC00] =	vst v63  }
0x32: {  	_ =	swait.ge [sflag:s12], $0x4000  }
0x33: {  	s17 =	sadd.s32 $0x1, s17;
	[sflag:s12] =	ssyncset.done $0x0  }
0x34: {  	p0 =	sne.s32 s17, s10;
	[sflag:s12] =	ssyncadd.s32 $0xFFFFC000  }
.Ltmp1:
0x35: {  	[bflag:$0x0] =	sbarrier.arrive $0xFFFF;
	(pc) =	sbr.rel @p0 .LBB2_1-.Ltmp1, $4  }
0x36: {  	[hbm:s9], [sflag:s6] =	dma.local [spmem:s11], $0x2780  }
0x37: {  	_ =	swait.ge [sflag:s12], $0x2780  }
0x38: {  	[sflag:s12] =	ssyncset.done $0x0  }
0x39: {  	[sflag:s12] =	ssyncadd.s32 $0xFFFFD880  }
0x3a: {  	_ =	sfence.sel $0x180000  }
0x3b: {  	[bflag:$0x0] =	sbarrier.arrive $0xFFFF  }
0x3c: {  	p0 =	sne.s32 s0, $0x0;
	_ =	strace $0x9000004D  }
0x3d: {  	s0 =	sadd.s32 @!p0 $0x100000, s1;
	[bflag:$0x2] =	sbarrier.arrive $0xFFFF  }
0x3e: {  	[sflag:s0] =	ssyncadd.tile.s32 @!p0 $0x1;
	_ =	shalt  }
.Lfunc_end2:
_tile_overlayer_lowered:
.L_overlay_start_2:
0x3f: {  	(tag) =	ssettag $0x2  }
0x40: {  	s0 =	rddreg [dreg:$0x0];
	s2 =	stileid.u32  }
0x41: {  	s1 =	rddreg [dreg:$0x1];
	p0 =	sne.s32 s2, $0x0  }
0x42: {  	s3 =	rddreg [dreg:$0x2];
	[bflag:$0x3] =	sbarrier.arrive $0xFFFF;
	s2 =	simm.s32 @!p0 $0x1C02  }
0x43: {  	[timem:s3], [sflag:s2] =	dma.local @!p0 [hbm:s0], s1  }
0x44: {  	s0 =	simm.s32 @!p0 $0x2  }
0x45: {  	_ =	swait.ge @!p0 [sflag:s0], s1  }
0x46: {  	s1 =	ssub.s32 @!p0 $0x0, s1;
	[sflag:s0] =	ssyncset.done @!p0 $0x0  }
0x47: {  	[sflag:s0] =	ssyncadd.s32 @!p0 s1  }
0x48: {  	[bflag:$0x3] =	sbarrier.arrive $0xFFFF  }
0x49: {  	_ =	shalt  }

// kernel: kernel.8.cloned.1.call-start
scs
__scs_entry_jumppad:
0x0: {  	(pc) =	sbr.rel $0x88, $3  }
0x1: {  	(tag) =	ssettag $0x0;
	lr =	simm.s32 $0x1  }
0x2: {  	[smem:$0x3F96] =	sst lr;
	_ =	strace $0xD0000000  }
0x3: {  	_ = 	snop  }
0x4: {  	_ = 	snop  }
0x5: {  	_ = 	snop  }
0x6: {  	_ = 	snop  }
0x7: {  	_ = 	snop  }
__scs_overlays_trampoline_lowered:
0x8: {  	[smem:$0x3FA5] =	sst s0  }
0x9: {  	[smem:$0x3FA6] =	sst s1  }
0xa: {  	[smem:$0x3FA7] =	sst s2  }
0xb: {  	[smem:$0x3FA8] =	sst s3  }
0xc: {  	[smem:$0x3FA9] =	sst s4  }
0xd: {  	[smem:$0x3FAA] =	sst s5  }
0xe: {  	[smem:$0x3FAB] =	sst s6  }
0xf: {  	[smem:$0x3FAC] =	sst s7  }
0x10: {  	[smem:$0x3FAD] =	sst s8  }
0x11: {  	[smem:$0x3FAE] =	sst s9;
	s0 =	simm.s32 @!p0 $0x0  }
0x12: {  	s1 =	sld [smem:$0x3F94];
	s0 =	simm.s32 @p0 $0x1  }
0x13: {  	[smem:$0x3FAF] =	sst s0;
	s0 =	simm.s32 @!p1 $0x0  }
0x14: {  	s2 =	sld [smem:$0x3F93];
	s0 =	simm.s32 @p1 $0x1  }
0x15: {  	[smem:$0x3FB0] =	sst s0;
	s0 =	simm.s32 @!p2 $0x0  }
0x16: {  	s3 =	sld [smem:$0x3FDB];
	s0 =	simm.s32 @p2 $0x1  }
0x17: {  	s4 =	simm.s32 $0x1BF5;
	[smem:$0x3FB2] =	sst s0  }
0x18: {  	s0 =	sld [smem:$0x3F95];
	_ =	swait.ge [sflag:s4], $0x0  }
0x19: {  	s7 =	sld [smem:$0x3F96]  }
0x1a: {  	s8 =	sadd.s32 $0xFFFFE003, lr  }
0x1b: {  	s9 =	sadd.s32 $0xFFFFFEF7, lr;
	s5 =	simm.s32 $0xFFFFFFFF;
	p2 =	slt.u32 s8, $0xFFFFF086  }
0x1c: {  	p1 =	slt.u32 s9, $0xF7A;
	s5 =	simm.s32 @!p2 $0x0  }
0x1d: {  	s5 =	simm.s32 @p1 $0x1;
	p0 =	seq.s32 s7, s2  }
0x1e: {  	s7 =	smul.u32 @!p0 $0xF7A, s2;
	p2 =	seq.s32 @!p0 s5, $0x0  }
0x1f: {  	s9 =	smul.u32 $0xF7A, s1;
	s8 =	simm.s32 @!p0 $0x1BF5;
	p2 =	por !p2, p0  }
0x20: {  	[sflag:s8] =	ssyncset.s32 @!p0 $0xFFFFF086;
	s6 =	sadd.s32 @!p0 s3, s7;
	s7 =	simm.s32 @!p0 $0x108  }
0x21: {  	s3 =	sadd.s32 s3, s9;
	s6 =	sadd.s32 @!p0 $0x88, s6;
	s7 =	simm.s32 @p2 $0x1082  }
0x22: {  	[simem:s7], [sflag:s8] =	dma.local @!p0 [hbm:s6], $0xF7A  }
0x23: {  	s9 =	sor.u32 $0xD0000000, s2;
	s6 =	simm.s32 $0x108;
	_ =	swait.ge @!p0 [sflag:s8], $0x0  }
0x24: {  	s3 =	sadd.s32 $0x88, s3;
	s6 =	simm.s32 @!p1 $0x1082;
	[sflag:s4] =	ssyncset.s32 $0xFFFFF086  }
0x25: {  	[simem:s6], [sflag:s4] =	dma.local [hbm:s3], $0xF7A  }
0x26: {  	[smem:$0x3F96] =	sst s1;
	(tag) =	ssettag s2;
	_ =	strace s9  }
0x27: {  	s1 =	sld [smem:$0x3FA6]  }
0x28: {  	s2 =	sld [smem:$0x3FA7]  }
0x29: {  	s4 =	sld [smem:$0x3FA9]  }
0x2a: {  	p0 =	seq.s32 s5, $0x0;
	s5 =	sld [smem:$0x3FAA]  }
0x2b: {  	s6 =	sld [smem:$0x3FAB]  }
0x2c: {  	s7 =	sld [smem:$0x3FAC]  }
0x2d: {  	s3 =	simm.s32 $0x108;
	s8 =	sld [smem:$0x3FAD]  }
0x2e: {  	s3 =	simm.s32 @!p0 $0x1082;
	s9 =	sld [smem:$0x3FAE]  }
0x2f: {  	lr =	sadd.s32 s0, s3;
	s0 =	sld [smem:$0x3FA5]  }
0x30: {  	s3 =	sld [smem:$0x3FA8]  }
0x31: {  	[smem:$0x3FB1] =	sst s10  }
0x32: {  	s10 =	sld [smem:$0x3FAF];
	_ =	sdelay $0x3  }
0x33: {  	p0 =	seq.s32 s10, $0x1;
	s10 =	sld [smem:$0x3FB1];
	_ =	sdelay $0x3  }
0x34: {  	[smem:$0x3FB1] =	sst s10  }
0x35: {  	s10 =	sld [smem:$0x3FB0];
	_ =	sdelay $0x3  }
0x36: {  	p1 =	seq.s32 s10, $0x1;
	s10 =	sld [smem:$0x3FB1];
	_ =	sdelay $0x3  }
0x37: {  	[smem:$0x3FB1] =	sst s10  }
0x38: {  	s10 =	sld [smem:$0x3FB2]  }
0x39: {  	_ = 	snop;
	(pc) =	sbr.ind lr, $3  }
0x3a: {  	_ = 	snop  }
0x3b: {  	_ = 	snop  }
0x3c: {  	p2 =	seq.s32 s10, $0x1;
	s10 =	sld [smem:$0x3FB1]  }
0x3d: {  	_ =	shalt  }
0x3e: {  	_ =	shalt  }
0x3f: {  	_ =	shalt  }
0x40: {  	_ =	shalt  }
0x41: {  	_ =	shalt  }
0x42: {  	_ =	shalt  }
0x43: {  	_ =	shalt  }
0x44: {  	_ =	shalt  }
0x45: {  	_ =	shalt  }
0x46: {  	_ =	shalt  }
0x47: {  	_ =	shalt  }
0x48: {  	_ =	shalt  }
0x49: {  	_ =	shalt  }
0x4a: {  	_ =	shalt  }
0x4b: {  	_ =	shalt  }
0x4c: {  	_ =	shalt  }
0x4d: {  	_ =	shalt  }
0x4e: {  	_ =	shalt  }
0x4f: {  	_ =	shalt  }
0x50: {  	_ =	shalt  }
0x51: {  	_ =	shalt  }
0x52: {  	_ =	shalt  }
0x53: {  	_ =	shalt  }
0x54: {  	_ =	shalt  }
0x55: {  	_ =	shalt  }
0x56: {  	_ =	shalt  }
0x57: {  	_ =	shalt  }
0x58: {  	_ =	shalt  }
0x59: {  	_ =	shalt  }
0x5a: {  	_ =	shalt  }
0x5b: {  	_ =	shalt  }
0x5c: {  	_ =	shalt  }
0x5d: {  	_ =	shalt  }
0x5e: {  	_ =	shalt  }
0x5f: {  	_ =	shalt  }
0x60: {  	_ =	shalt  }
0x61: {  	_ =	shalt  }
0x62: {  	_ =	shalt  }
0x63: {  	_ =	shalt  }
0x64: {  	_ =	shalt  }
0x65: {  	_ =	shalt  }
0x66: {  	_ =	shalt  }
0x67: {  	_ =	shalt  }
0x68: {  	_ =	shalt  }
0x69: {  	_ =	shalt  }
0x6a: {  	_ =	shalt  }
0x6b: {  	_ =	shalt  }
0x6c: {  	_ =	shalt  }
0x6d: {  	_ =	shalt  }
0x6e: {  	_ =	shalt  }
0x6f: {  	_ =	shalt  }
0x70: {  	_ =	shalt  }
0x71: {  	_ =	shalt  }
0x72: {  	_ =	shalt  }
0x73: {  	_ =	shalt  }
0x74: {  	_ =	shalt  }
0x75: {  	_ =	shalt  }
0x76: {  	_ =	shalt  }
0x77: {  	_ =	shalt  }
0x78: {  	_ =	shalt  }
0x79: {  	_ =	shalt  }
0x7a: {  	_ =	shalt  }
0x7b: {  	_ =	shalt  }
0x7c: {  	_ =	shalt  }
0x7d: {  	_ =	shalt  }
0x7e: {  	_ =	shalt  }
0x7f: {  	_ =	shalt  }
0x80: {  	_ =	shalt  }
0x81: {  	_ =	shalt  }
0x82: {  	_ =	shalt  }
0x83: {  	_ =	shalt  }
0x84: {  	_ =	shalt  }
0x85: {  	_ =	shalt  }
0x86: {  	_ =	shalt  }
0x87: {  	_ =	shalt  }
.Lfunc_end0:
.L_simem_size_0:
called_computation_lowered:
.L_overlay_start_0:
0x88: {  	s2 =	sld [smem:$0x3FD9]  }
0x89: {  	s3 =	sld [smem:$0x3FFE];
	_ =	sdelay $0x1  }
0x8a: {  	s1 =	srdreg.scid  }
0x8b: {  	s0 =	sand.u32 $0x1, s1  }
0x8c: {  	s16 =	sshll.u32 s0, $0xA;
	s2 =	sadd.s32 s3, s2  }
0x8d: {  	s2 =	sadd.s32 s2, s16  }
0x8e: {  	[smem:$0x3FBD] =	sst s2  }
0x8f: {  	_ = 	snop  }
0x90: {  	(tm) =	ssettm $0x1  }
0x91: {  	s17 =	sld [smem:$0x3FFB];
	_ =	sdelay $0x3  }
0x92: {  	_ =	strace s17  }
0x93: {  	s2 =	sld [smem:$0x3FFC];
	_ =	sdelay $0x3  }
0x94: {  	_ =	strace s2  }
0x95: {  	s2 =	sld [smem:$0x3FFD];
	_ =	sdelay $0x3  }
0x96: {  	_ =	strace s2  }
0x97: {  	_ =	strace $0x8FFFFFFF  }
0x98: {  	s18 =	sld [smem:$0x3FDB];
	_ =	sdelay $0x1  }
0x99: {  	s19 =	simm.s32 $_scs_section_size  }
0x9a: {  	s4 =	simm.s32 $_size__tile_overlayer_lowered;
	s5 =	simm.s32 $_tile_overlayer_lowered  }
0x9b: {  	s22 =	simm.s32 $0x1BFF;
	s21 =	sshll.u32 s5, $0x1;
	s2 =	sadd.s32 s19, s18  }
0x9c: {  	s6 =	simm.s32 $0x0;
	s20 =	sshll.u32 s4, $0x1;
	s4 =	sadd.s32 s21, s2  }
0x9d: {  	[timem:s6], [sflag:s22] =	dma.local [hbm:s4], s20  }
0x9e: {  	_ =	swait.ge [sflag:s22], s20  }
0x9f: {  	s3 =	ssub.s32 $0x0, s20;
	[sflag:s22] =	ssyncset.done $0x0  }
0xa0: {  	[sflag:s22] =	ssyncadd.s32 s3;
	_ =	sdelay $0x1  }
0xa1: {  	s23 =	simm.s32 $0x1B8B  }
0xa2: {  	_ =	swait.ge [sflag:s23], $0x1  }
0xa3: {  	[sflag:s23] =	ssyncset.done $0x0  }
0xa4: {  	s25 =	simm.s32 $0x1B8E;
	s24 =	sld [smem:$0x3FFE];
	[sflag:s23] =	ssyncadd.s32 $0xFFFFFFFF  }
0xa5: {  	s26 =	simm.s32 $execute0_lowered;
	[smem:$0x3FD2] =	sst s25  }
0xa6: {  	s4 =	sshll.u32 s26, $0x1;
	_ =	strace $0x80000046;
	[dreg:$0x1] =	wrdreg $0xFFFFFFFF  }
0xa7: {  	s28 =	simm.s32 $_size_execute0_lowered;
	s2 =	sadd.s32 s2, s4;
	[dreg:$0x0] =	wrdreg $0x0  }
0xa8: {  	s4 =	sshll.u32 s28, $0x1;
	[dreg:$0x2] =	wrdreg s2  }
0xa9: {  	[dreg:$0x3] =	wrdreg s4  }
0xaa: {  	[dreg:$0x4] =	wrdreg $0xC0  }
0xab: {  	_ =	task [dreg:s6], $0x5FFFF  }
0xac: {  	[dreg:$0x1] =	wrdreg $0xFFFFFFFF  }
0xad: {  	[dreg:$0x0] =	wrdreg $0x60  }
0xae: {  	[dreg:$0x2] =	wrdreg s24  }
0xaf: {  	[dreg:$0x3] =	wrdreg $0x9  }
0xb0: {  	_ =	task.clear_ibuf [dreg:s6], $0x4FFFF;
	_ =	strace $0x90000046  }
0xb1: {  	s29 =	simm.s32 $0x9;
	_ =	strace $0x80000048  }
0xb2: {  	_ =	swait.ge [sflag:s29], $0x1  }
0xb3: {  	[sflag:s29] =	ssyncadd.s32 $0xFFFFFFFF  }
0xb4: {  	_ =	strace $0x90000048  }
0xb5: {  	_ =	sfence  }
0xb6: {  	s30 =	sld [smem:$0x0];
	_ =	sdelay $0x2  }
0xb7: {  	s31 =	sshll.u32 s1, $0xD;
	s1 =	sshrl.u32 s1, $0x2  }
0xb8: {  	s3 =	sand.u32 $0x4000, s31;
	s1 =	sadd.s32 s1, s30  }
0xb9: {  	s0 =	sor.u32 s3, s0;
	s1 =	sshll.u32 s1, $0x11  }
0xba: {  	s0 =	sor.u32 s1, s0  }
0xbb: {  	s0 =	sadd.s32 $0x8F2B, s0  }
0xbc: {  	[sflag:s0] =	ssyncadd.remote.s32 $0x1  }
0xbd: {  	_ =	sfence.sel $0xFFFF  }
0xbe: {  	[dreg:$0x0] =	wrdreg $0xFFFFFFFF;
	(pc) =	sbr.abs _section_cstart, $3  }
0xbf: {  	[dreg:$0x1] =	wrdreg $0xFFFFFFFF  }
0xc0: {  	_ =	task.clear_ibuf [dreg:s6], $0x2FFFF;
	_ =	strace $0x9FFFFFFF  }
0xc1: {  	(tm) =	ssettm $0x7FFFFFFF  }
tec
execute0_lowered:
.L_overlay_start_1:
0x0: {  	(tag) =	ssettag $0x1  }
0x1: {  	s0 =	srdreg.scid  }
0x2: {  	s5 =	rddreg [dreg:$0x0];
	s3 =	sand.u32 $0x1, s0  }
0x3: {  	s2 =	simm.s32 $0x0;
	s0 =	stileid.u32;
	s1 =	sshll.u32 s3, $0x4  }
0x4: {  	s8 =	simm.s32 $0x80;
	s9 =	simm.s32 $0x400;
	s4 =	sor.u32 s0, s1  }
0x5: {  	s10 =	simm.s32 $0x0;
	[smem:$0x7FF] =	sst s2;
	s1 =	sshrl.u32 s4, $0x3  }
0x6: {  	s7 =	sshll.u32 s0, $0x7;
	s3 =	ssub.s32 $0x2, s3;
	s6 =	smul.u32 $0x13C00, s1  }
0x7: {  	s7 =	sand.u32 $0x380, s7;
	s31 =	sshrl.u32 s3, $0x1;
	s4 =	smul.u32 $0x500, s4  }
0x8: {  	s1 =	rddreg [dreg:$0x1];
	_ =	strace $0x80000047;
	s6 =	sor.u32 s7, s6  }
0x9: {  	s4 =	sadd.s32 s4, s5;
	s7 =	simm.s32 $0x2800;
	s6 =	sshrl.u32 s6, $0x3  }
0xa: {  	s5 =	sadd.s32 s6, s5;
	s6 =	ssub.s32 s3, s31;
	s3 =	sadd.s32 $0xCA00, s4  }
0xb: {  	v0 =	vimm.f32 $0.0e+00;
	v1 =	vimm.f32 $1.000000000e+00;
	s4 =	sadd.s32 $0x16A00, s5;
	s5 =	smax.u32 s6, $0x1;
	s6 =	simm.s32 $0x1  }
.LBB2_1:
0xc: {  	[tilespmem:s2], [sflag:$0x1] =	stream.linear.gather [hbm4b:s3+s2], $0x2800, $0x38;
	[tilespmem:$0x4F80] =	vst v63  }
0xd: {  	_ =	swait.ge [sflag:s6], $0x2800  }
0xe: {  	[sflag:s6] =	ssyncset.done $0x0  }
0xf: {  	s11 =	simm.s32 $0x0;
	[sflag:s6] =	ssyncadd.s32 $0xFFFFD800  }
.LBB2_2:
0x10: {  	p0 =	sne.s32 s11, $0x9DC0  }
.Ltmp0:
0x11: {  	_ = 	snop;
	(pc) =	sbr.rel @p0 .LBB2_2-.Ltmp0, $3  }
0x12: {  	_ =	sdelay $0x1  }
0x13: {  	s12 =	sshra.s32 s11, $0x2  }
0x14: {  	s11 =	sadd.s32 $0x40, s11;
	[tilespmem:s12+$0x2800] =	vst v0  }
0x15: {  	s11 =	simm.s32 $0x1C0  }
.LBB2_4:
0x16: {  	s12 =	sshra.s32 s11, $0x2  }
0x17: {  	v2 =	vld [tilespmem:s12+$0xFFFFFF90];
	_ =	sdelay $0x7  }
0x18: {  	[tilespmem:v2+s7+$0x0] =	vst.idx.add.f32.msk $0xffff, v1  }
0x19: {  	v2 =	vld [tilespmem:s12+$0xFFFFFFA0];
	_ =	sdelay $0x7  }
0x1a: {  	[tilespmem:v2+s7+$0x0] =	vst.idx.add.f32.msk $0xffff, v1  }
0x1b: {  	v2 =	vld [tilespmem:s12+$0xFFFFFFB0];
	_ =	sdelay $0x7  }
0x1c: {  	[tilespmem:v2+s7+$0x0] =	vst.idx.add.f32.msk $0xffff, v1  }
0x1d: {  	v2 =	vld [tilespmem:s12+$0xFFFFFFC0];
	_ =	sdelay $0x7  }
0x1e: {  	[tilespmem:v2+s7+$0x0] =	vst.idx.add.f32.msk $0xffff, v1  }
0x1f: {  	v2 =	vld [tilespmem:s12+$0xFFFFFFD0];
	_ =	sdelay $0x7  }
0x20: {  	[tilespmem:v2+s7+$0x0] =	vst.idx.add.f32.msk $0xffff, v1  }
0x21: {  	v2 =	vld [tilespmem:s12+$0xFFFFFFE0];
	_ =	sdelay $0x7  }
0x22: {  	[tilespmem:v2+s7+$0x0] =	vst.idx.add.f32.msk $0xffff, v1  }
0x23: {  	v2 =	vld [tilespmem:s12+$0xFFFFFFF0];
	_ =	sdelay $0x7  }
0x24: {  	[tilespmem:v2+s7+$0x0] =	vst.idx.add.f32.msk $0xffff, v1  }
0x25: {  	v2 =	vld [tilespmem:s12+$0x0];
	_ =	sdelay $0x2  }
0x26: {  	p0 =	sne.s32 s11, $0x9FC0  }
.Ltmp1:
0x27: {  	_ = 	snop;
	(pc) =	sbr.rel @p0 .LBB2_4-.Ltmp1, $2  }
0x28: {  	_ =	sdelay $0x2  }
0x29: {  	s11 =	sadd.s32 $0x200, s11;
	[tilespmem:v2+s7+$0x0] =	vst.idx.add.f32.msk $0xffff, v1  }
0x2a: {  	s10 =	sadd.s32 $0x1, s10  }
0x2b: {  	p0 =	sne.s32 s10, s5  }
.Ltmp2:
0x2c: {  	_ = 	snop;
	(pc) =	sbr.rel @p0 .LBB2_1-.Ltmp2, $4  }
0x2d: {  	[hbm4b:s4+s8] =	stream.strided.scatter [tilespmem:s7], [sflag:$0x1], $0x2780, s9, s8, $0x38;
	[tilespmem:$0x4F80] =	vst v63  }
0x2e: {  	_ =	swait.ge [sflag:s6], $0x2780  }
0x2f: {  	[sflag:s6] =	ssyncset.done $0x0  }
0x30: {  	[sflag:s6] =	ssyncadd.s32 $0xFFFFD880  }
0x31: {  	_ =	sfence.sel $0x180000  }
0x32: {  	[bflag:$0x0] =	sbarrier.arrive $0xFFFF  }
0x33: {  	p0 =	sne.s32 s0, $0x0;
	_ =	strace $0x90000047  }
0x34: {  	s0 =	sadd.s32 @!p0 $0x100000, s1;
	[bflag:$0x2] =	sbarrier.arrive $0xFFFF  }
0x35: {  	[sflag:s0] =	ssyncadd.tile.s32 @!p0 $0x1;
	_ =	shalt  }
.Lfunc_end2:
_tile_overlayer_lowered:
.L_overlay_start_2:
0x36: {  	(tag) =	ssettag $0x2  }
0x37: {  	s0 =	rddreg [dreg:$0x0];
	s2 =	stileid.u32  }
0x38: {  	s1 =	rddreg [dreg:$0x1];
	p0 =	sne.s32 s2, $0x0  }
0x39: {  	s3 =	rddreg [dreg:$0x2];
	[bflag:$0x3] =	sbarrier.arrive $0xFFFF;
	s2 =	simm.s32 @!p0 $0x1C01  }
0x3a: {  	[timem:s3], [sflag:s2] =	dma.local @!p0 [hbm:s0], s1  }
0x3b: {  	s0 =	simm.s32 @!p0 $0x1  }
0x3c: {  	_ =	swait.ge @!p0 [sflag:s0], s1  }
0x3d: {  	s1 =	ssub.s32 @!p0 $0x0, s1;
	[sflag:s0] =	ssyncset.done @!p0 $0x0  }
0x3e: {  	[sflag:s0] =	ssyncadd.s32 @!p0 s1  }
0x3f: {  	[bflag:$0x3] =	sbarrier.arrive $0xFFFF  }
0x40: {  	_ =	shalt  }

</sc_bundles>
